<compile_context>
chip_gen: v7x
topology: tpu7x:2x2x1
jax: 0.10.2.dev20260603
libtpu: 0.0.44.dev20260713+nightly
codegen_flags: <defaults>
</compile_context>

<pallas_src>
import functools

import jax
import jax.numpy as jnp
from jax import lax
from jax.experimental import pallas as pl
from jax.experimental.pallas import tpu as pltpu
from jax.experimental.pallas import tpu_sc as plsc

N_NODES = 10000
N_EDGES = 320000
NP = 10240
DUMMY = 10000
D = 128
DH = 112
DEG_W = 16
NG = 128

NTILES = 32
EPT = N_EDGES // NTILES
CHUNK = 128
EPT_PAD = 80 * CHUNK
ROWS_PT = NP // 16

_mesh = plsc.VectorSubcoreMesh(core_axis_name="c", subcore_axis_name="s")



@functools.partial(
    pl.kernel,
    mesh=_mesh,
    compiler_params=pltpu.CompilerParams(use_tc_tiling_on_sc=False),
    out_type=jax.ShapeDtypeStruct((2, NP, DEG_W), jnp.float32),
    scratch_types=[
        pltpu.VMEM((80, CHUNK), jnp.int32),
        pltpu.VMEM((CHUNK, DEG_W), jnp.float32),
        pltpu.VMEM_SHARED((NP, DEG_W), jnp.float32),
    ],
)
def _deg_kernel(dst_hbm, ones_hbm, zeros_hbm, degp_hbm, dst_v, ones_v, dacc):
    c = lax.axis_index("c")
    s = lax.axis_index("s")
    wid = s * 2 + c
    pltpu.sync_copy(dst_hbm.at[wid], dst_v)
    pltpu.sync_copy(ones_hbm, ones_v)
    pltpu.sync_copy(zeros_hbm, dacc.at[pl.ds(s * ROWS_PT, ROWS_PT), :])
    plsc.subcore_barrier()

    def chunk(j, carry):
        pltpu.sync_copy(ones_v, dacc.at[dst_v.at[j]], add=True)
        return carry

    lax.fori_loop(0, 80, chunk, 0)
    plsc.subcore_barrier()
    pltpu.sync_copy(dacc.at[pl.ds(s * ROWS_PT, ROWS_PT), :],
                    degp_hbm.at[c, pl.ds(s * ROWS_PT, ROWS_PT), :])


@functools.partial(
    pl.kernel,
    mesh=_mesh,
    compiler_params=pltpu.CompilerParams(use_tc_tiling_on_sc=False),
    out_type=jax.ShapeDtypeStruct((2, NP, DH), jnp.float32),
    scratch_types=[
        pltpu.VMEM((80, CHUNK), jnp.int32),
        pltpu.VMEM((80, CHUNK), jnp.int32),
        [pltpu.VMEM((CHUNK, DH), jnp.float32)] * 2,
        [pltpu.SemaphoreType.DMA] * 2,
        [pltpu.SemaphoreType.DMA] * 2,
        pltpu.VMEM_SHARED((NP, DH), jnp.float32),
    ],
)
def _scatter_kernel(src_hbm, dst_hbm, table_hbm, zeros_hbm, part_hbm,
                    src_v, dst_v, bufs, gsem, ssem, acc):
    c = lax.axis_index("c")
    s = lax.axis_index("s")
    wid = s * 2 + c
    pltpu.sync_copy(src_hbm.at[wid], src_v)
    pltpu.sync_copy(dst_hbm.at[wid], dst_v)
    pltpu.sync_copy(zeros_hbm, acc.at[pl.ds(s * ROWS_PT, ROWS_PT), :])
    plsc.subcore_barrier()

    for b in range(2):
        pltpu.async_copy(table_hbm.at[src_v.at[b]], bufs[b], gsem[b])

    def group(jo, carry):
        j0 = jo * 2
        for b in range(2):
            pltpu.make_async_copy(table_hbm.at[src_v.at[j0 + b]],
                                  bufs[b], gsem[b]).wait()
            pltpu.async_copy(bufs[b], acc.at[dst_v.at[j0 + b]], ssem[b],
                             add=True)
        for b in range(2):
            pltpu.make_async_copy(bufs[b], acc.at[dst_v.at[j0 + b]],
                                  ssem[b]).wait()
            pltpu.async_copy(table_hbm.at[src_v.at[j0 + b + 2]], bufs[b],
                             gsem[b])
        return carry

    lax.fori_loop(0, 39, group, 0)
    for b in range(2):
        j = 78 + b
        pltpu.make_async_copy(table_hbm.at[src_v.at[j]], bufs[b],
                              gsem[b]).wait()
        pltpu.async_copy(bufs[b], acc.at[dst_v.at[j]], ssem[b], add=True)
    for b in range(2):
        pltpu.make_async_copy(bufs[b], acc.at[dst_v.at[78 + b]],
                              ssem[b]).wait()
    plsc.subcore_barrier()
    pltpu.sync_copy(acc.at[pl.ds(s * ROWS_PT, ROWS_PT), :],
                    part_hbm.at[c, pl.ds(s * ROWS_PT, ROWS_PT), :])



BM = 2000


def _tc_a_body(x_ref, w_ref, d0_ref, d1_ref, hs_ref, dinv_ref):
    deg = d0_ref[:, 0:1] + d1_ref[:, 0:1] + 1.0
    dinv = lax.rsqrt(deg)
    h = jnp.dot(x_ref[...], w_ref[...], preferred_element_type=jnp.float32)
    hs_ref[...] = h * dinv
    dinv_ref[...] = jnp.broadcast_to(dinv, (BM, DH))


def _tc_b_body(p0_ref, p1_ref, hs_ref, dinv_ref, b_ref, w_ref, out_ref):
    dinv = dinv_ref[...]
    h = (p0_ref[...] + p1_ref[...] + hs_ref[...]) * dinv + b_ref[...]
    h = jnp.maximum(h, 0.0)
    out_ref[...] = jnp.dot(h, w_ref[...], preferred_element_type=jnp.float32) * dinv


def _tc_c_body(q0_ref, q1_ref, hs_ref, dinv_ref, b_ref, batch_ref, wc_ref,
               bc_ref, out_ref, s_acc, c_acc):
    i = pl.program_id(0)

    @pl.when(i == 0)
    def _():
        s_acc[...] = jnp.zeros_like(s_acc)
        c_acc[...] = jnp.zeros_like(c_acc)

    h = (q0_ref[...] + q1_ref[...] + hs_ref[...]) * dinv_ref[...] + b_ref[...]
    h = jnp.maximum(h, 0.0)
    gids = lax.broadcasted_iota(jnp.int32, (BM, NG), 1)
    oh = (batch_ref[...] == gids).astype(jnp.float32)
    s_acc[...] += lax.dot_general(oh, h, (((0,), (0,)), ((), ())),
                                  preferred_element_type=jnp.float32)
    c_acc[...] += lax.dot_general(oh, jnp.ones((BM, DH), jnp.float32),
                                  (((0,), (0,)), ((), ())),
                                  preferred_element_type=jnp.float32)

    @pl.when(i == pl.num_programs(0) - 1)
    def _():
        pooled = s_acc[...] / jnp.maximum(c_acc[...], 1.0)
        out_ref[...] = jnp.dot(pooled, wc_ref[...],
                               preferred_element_type=jnp.float32) + bc_ref[...]


def _row_spec(shape):
    nd = len(shape)
    return pl.BlockSpec((BM,) + tuple(shape[1:]), lambda i: (i,) + (0,) * (nd - 1))


def _full_spec(shape):
    nd = len(shape)
    return pl.BlockSpec(tuple(shape), lambda i: (0,) * nd)


def _tc_a(x, w1p, d0, d1):
    return pl.pallas_call(
        _tc_a_body,
        grid=(N_NODES // BM,),
        in_specs=[_row_spec((N_NODES, D)), _full_spec((D, DH)),
                  _row_spec((N_NODES, DEG_W)), _row_spec((N_NODES, DEG_W))],
        out_specs=[_row_spec((N_NODES, DH)), _row_spec((N_NODES, DH))],
        out_shape=[jax.ShapeDtypeStruct((N_NODES, DH), jnp.float32),
                   jax.ShapeDtypeStruct((N_NODES, DH), jnp.float32)],
    )(x, w1p, d0, d1)


def _tc_b(p0, p1, hs, dinvb, b1p, w2p):
    return pl.pallas_call(
        _tc_b_body,
        grid=(N_NODES // BM,),
        in_specs=[_row_spec((N_NODES, DH))] * 4 + [_full_spec((1, DH)),
                                                   _full_spec((DH, DH))],
        out_specs=_row_spec((N_NODES, DH)),
        out_shape=jax.ShapeDtypeStruct((N_NODES, DH), jnp.float32),
    )(p0, p1, hs, dinvb, b1p, w2p)


def _tc_c(q0, q1, hs, dinvb, b2p, batch2d, wcp, bcp):
    return pl.pallas_call(
        _tc_c_body,
        grid=(N_NODES // BM,),
        in_specs=[_row_spec((N_NODES, DH))] * 4 + [
            _full_spec((1, DH)), _row_spec((N_NODES, 1)),
            _full_spec((DH, NG)), _full_spec((1, NG))],
        out_specs=_full_spec((NG, NG)),
        out_shape=jax.ShapeDtypeStruct((NG, NG), jnp.float32),
        scratch_shapes=[pltpu.VMEM((NG, DH), jnp.float32),
                        pltpu.VMEM((NG, DH), jnp.float32)],
    )(q0, q1, hs, dinvb, b2p, batch2d, wcp, bcp)



def kernel(x, edge_index, batch, W1, b1, W2, b2, Wc, bc):
    f32 = jnp.float32
    w1p = jnp.pad(W1.astype(f32), ((0, 0), (0, DH - W1.shape[1])))
    w2p = jnp.pad(W2.astype(f32), ((0, DH - W2.shape[0]), (0, DH - W2.shape[1])))
    wcp = jnp.pad(Wc.astype(f32), ((0, DH - Wc.shape[0]), (0, NG - Wc.shape[1])))
    b1p = jnp.pad(b1.astype(f32), (0, DH - b1.shape[0])).reshape(1, DH)
    b2p = jnp.pad(b2.astype(f32), (0, DH - b2.shape[0])).reshape(1, DH)
    bcp = jnp.pad(bc.astype(f32), (0, NG - bc.shape[0])).reshape(1, NG)

    src = edge_index[0].reshape(NTILES, EPT)
    dst = edge_index[1].reshape(NTILES, EPT)
    pad = ((0, 0), (0, EPT_PAD - EPT))
    src_r = jnp.pad(src, pad, constant_values=DUMMY).reshape(NTILES, 80, CHUNK)
    dst_r = jnp.pad(dst, pad, constant_values=DUMMY).reshape(NTILES, 80, CHUNK)

    ones_deg = jnp.ones((CHUNK, DEG_W), f32)
    zeros_deg = jnp.zeros((ROWS_PT, DEG_W), f32)
    zeros_scat = jnp.zeros((ROWS_PT, DH), f32)

    degp = _deg_kernel(dst_r, ones_deg, zeros_deg)
    d0 = degp[0, :N_NODES, :]
    d1 = degp[1, :N_NODES, :]

    hs1, dinvb = _tc_a(x.astype(f32), w1p, d0, d1)
    t1 = jnp.pad(hs1, ((0, NP - N_NODES), (0, 0)))
    p = _scatter_kernel(src_r, dst_r, t1, zeros_scat)
    hs2 = _tc_b(p[0, :N_NODES, :], p[1, :N_NODES, :], hs1, dinvb, b1p, w2p)

    t2 = jnp.pad(hs2, ((0, NP - N_NODES), (0, 0)))
    q = _scatter_kernel(src_r, dst_r, t2, zeros_scat)
    out = _tc_c(q[0, :N_NODES, :], q[1, :N_NODES, :], hs2, dinvb, b2p,
                batch.reshape(N_NODES, 1), wcp, bcp)
    return out[:, :bc.shape[0]]

# --- scband reference (transcript-rebuilt; emitter-appended) ---
"""Pipeline reference for scband-classifier-31610959299310 (READ-ONLY COPY).

The authoritative reference and input builder live on the scoring server;
editing this copy changes nothing except your own understanding.
"""

import jax, jax.numpy as jnp
import numpy as np

N_NODES = 10000
N_EDGES = 320000
D_FEAT = 128
HIDDEN = 100
N_CLASSES = 2
N_GRAPHS = 128


def setup_inputs(seed: int = 0) -> dict:
    key = jax.random.key(seed)
    ks = jax.random.split(key, 10)
    x = jax.random.normal(ks[0], (N_NODES, D_FEAT), dtype=jnp.float32)
    edge_index = jax.random.randint(ks[1], (2, N_EDGES), 0, N_NODES, dtype=jnp.int32)
    batch = jnp.sort(jax.random.randint(ks[2], (N_NODES,), 0, N_GRAPHS, dtype=jnp.int32))
    # GCNConv layer 1 params (PyG GCNConv: lin weight [out,in] applied as x @ W.T; here store [in,out])
    W1 = jax.random.normal(ks[3], (D_FEAT, HIDDEN), dtype=jnp.float32) / np.sqrt(D_FEAT)
    b1 = jnp.zeros((HIDDEN,), dtype=jnp.float32)
    W2 = jax.random.normal(ks[4], (HIDDEN, HIDDEN), dtype=jnp.float32) / np.sqrt(HIDDEN)
    b2 = jnp.zeros((HIDDEN,), dtype=jnp.float32)
    # classifier head
    Wc = jax.random.normal(ks[5], (HIDDEN, N_CLASSES), dtype=jnp.float32) / np.sqrt(HIDDEN)
    bc = jnp.zeros((N_CLASSES,), dtype=jnp.float32)
    return {"x": x, "edge_index": edge_index, "batch": batch,
            "W1": W1, "b1": b1, "W2": W2, "b2": b2, "Wc": Wc, "bc": bc}


def gcn_conv(x, edge_index, W, b, num_nodes):
    # PyG GCNConv: out = D^{-1/2} (A + I) D^{-1/2} X W + b
    h = x @ W
    src = edge_index[0]
    dst = edge_index[1]
    loop = jnp.arange(num_nodes, dtype=src.dtype)
    src = jnp.concatenate([src, loop])
    dst = jnp.concatenate([dst, loop])
    deg = jnp.zeros((num_nodes,), dtype=h.dtype).at[dst].add(1.0)
    dinv = jnp.where(deg > 0, jax.lax.rsqrt(jnp.maximum(deg, 1e-12)), 0.0)
    norm = dinv[src] * dinv[dst]
    msg = h[src] * norm[:, None]
    out = jnp.zeros((num_nodes, h.shape[1]), dtype=h.dtype).at[dst].add(msg)
    return out + b


def reference(x, edge_index, batch, W1, b1, W2, b2, Wc, bc):
    n = x.shape[0]
    h = jax.nn.relu(gcn_conv(x.astype(jnp.float32), edge_index, W1, b1, n))
    h = jax.nn.relu(gcn_conv(h, edge_index, W2, b2, n))
    # global mean pool over graph ids
    sums = jax.ops.segment_sum(h, batch, num_segments=N_GRAPHS)
    cnt = jax.ops.segment_sum(jnp.ones((n,), dtype=h.dtype), batch, num_segments=N_GRAPHS)
    pooled = sums / jnp.maximum(cnt, 1.0)[:, None]
    # dropout is identity in eval mode
    out = pooled @ Wc + bc
    return out

if __name__ == "__main__":
    import jax
    _d = setup_inputs()
    print(jax.jit(kernel)(*tuple(_d.values())))

</pallas_src>

<mosaic_0001>
#map = affine_map<(d0, d1) -> (0, 0, 0)>
#map1 = affine_map<(d0, d1) -> (0, 0)>
module attributes {stable_mosaic.version = 14 : i64} {
  func.func @_deg_kernel(%arg0: i32, %arg1: i32, %arg2: memref<32x80x128xi32, #tpu.memory_space<hbm>>, %arg3: memref<128x16xf32, #tpu.memory_space<hbm>>, %arg4: memref<640x16xf32, #tpu.memory_space<hbm>>, %arg5: memref<2x10240x16xf32, #tpu.memory_space<hbm>>, %arg6: memref<80x128xi32, #tpu.memory_space<vmem>>, %arg7: memref<128x16xf32, #tpu.memory_space<vmem>>, %arg8: memref<10240x16xf32, #tpu.memory_space<vmem_shared>>) attributes {dimension_semantics = [#tpu.dimension_semantics<core_parallel>, #tpu.dimension_semantics<subcore_parallel>], iteration_bounds = array<i64: 2, 16>, scalar_prefetch = 0 : i64, scratch_operands = 3 : i64, tpu.core_type = #tpu.core_type<sc_vector_subcore>, window_params = [{transform_indices = #map}, {transform_indices = #map1}, {transform_indices = #map1}, {transform_indices = #map}]} {
    %mul3A = arith.constant 2 : i32
    %mul3A_0 = arith.muli %arg1, %mul3A : i32
    %add3A = arith.addi %mul3A_0, %arg0 : i32
    "tpu.region"() ({
      %run_scoped3A = tpu.sem_alloc : memref<!tpu.dma_semaphore, #tpu.memory_space<semaphore_mem>>
      %dma_start3A = arith.constant 0 : i32
      %dma_start3A_13 = arith.constant 0 : i32
      %dma_start3A_14 = tpu.memref_slice %arg2[%add3A, %dma_start3A, %dma_start3A_13] : memref<32x80x128xi32, #tpu.memory_space<hbm>> -> memref<1x80x128xi32, #tpu.memory_space<hbm>>
      %dma_start3A_15 = tpu.memref_squeeze %dma_start3A_14 : memref<1x80x128xi32, #tpu.memory_space<hbm>> -> memref<80x128xi32, #tpu.memory_space<hbm>>
      %dma_start3A_16 = arith.constant 0 : i32
      %dma_start3A_17 = arith.constant 0 : i32
      %dma_start3A_18 = tpu.memref_slice %arg2[%add3A, %dma_start3A_16, %dma_start3A_17] : memref<32x80x128xi32, #tpu.memory_space<hbm>> -> memref<1x80x128xi32, #tpu.memory_space<hbm>>
      %dma_start3A_19 = tpu.memref_squeeze %dma_start3A_18 : memref<1x80x128xi32, #tpu.memory_space<hbm>> -> memref<80x128xi32, #tpu.memory_space<hbm>>
      tpu.enqueue_dma source(%dma_start3A_19 : memref<80x128xi32, #tpu.memory_space<hbm>>) target(%arg6 : memref<80x128xi32, #tpu.memory_space<vmem>>) target_semaphore(%run_scoped3A : memref<!tpu.dma_semaphore, #tpu.memory_space<semaphore_mem>>)
      %dma_wait3A = arith.constant 0 : i32
      %dma_wait3A_20 = arith.constant 0 : i32
      %dma_wait3A_21 = tpu.memref_slice %arg2[%add3A, %dma_wait3A, %dma_wait3A_20] : memref<32x80x128xi32, #tpu.memory_space<hbm>> -> memref<1x80x128xi32, #tpu.memory_space<hbm>>
      %dma_wait3A_22 = tpu.memref_squeeze %dma_wait3A_21 : memref<1x80x128xi32, #tpu.memory_space<hbm>> -> memref<80x128xi32, #tpu.memory_space<hbm>>
      %dma_wait3A_23 = arith.constant 0 : i32
      %dma_wait3A_24 = arith.constant 0 : i32
      %dma_wait3A_25 = tpu.memref_slice %arg2[%add3A, %dma_wait3A_23, %dma_wait3A_24] : memref<32x80x128xi32, #tpu.memory_space<hbm>> -> memref<1x80x128xi32, #tpu.memory_space<hbm>>
      %dma_wait3A_26 = tpu.memref_squeeze %dma_wait3A_25 : memref<1x80x128xi32, #tpu.memory_space<hbm>> -> memref<80x128xi32, #tpu.memory_space<hbm>>
      tpu.wait_dma2 semaphore(%run_scoped3A : memref<!tpu.dma_semaphore, #tpu.memory_space<semaphore_mem>>) src(%dma_wait3A_26 : memref<80x128xi32, #tpu.memory_space<hbm>>) dst(%arg6 : memref<80x128xi32, #tpu.memory_space<vmem>>)
      tpu.yield
    }) : () -> ()
    "tpu.region"() ({
      %run_scoped3A = tpu.sem_alloc : memref<!tpu.dma_semaphore, #tpu.memory_space<semaphore_mem>>
      tpu.enqueue_dma source(%arg3 : memref<128x16xf32, #tpu.memory_space<hbm>>) target(%arg7 : memref<128x16xf32, #tpu.memory_space<vmem>>) target_semaphore(%run_scoped3A : memref<!tpu.dma_semaphore, #tpu.memory_space<semaphore_mem>>)
      tpu.wait_dma2 semaphore(%run_scoped3A : memref<!tpu.dma_semaphore, #tpu.memory_space<semaphore_mem>>) src(%arg3 : memref<128x16xf32, #tpu.memory_space<hbm>>) dst(%arg7 : memref<128x16xf32, #tpu.memory_space<vmem>>)
      tpu.yield
    }) : () -> ()
    %mul3A_1 = arith.constant 640 : i32
    %mul3A_2 = arith.muli %arg1, %mul3A_1 : i32
    "tpu.region"() ({
      %run_scoped3A = tpu.sem_alloc : memref<!tpu.dma_semaphore, #tpu.memory_space<semaphore_mem>>
      %dma_start3A = arith.constant 0 : i32
      %dma_start3A_13 = tpu.memref_slice %arg8[%mul3A_2, %dma_start3A] : memref<10240x16xf32, #tpu.memory_space<vmem_shared>> -> memref<640x16xf32, #tpu.memory_space<vmem_shared>>
      tpu.enqueue_dma source(%arg4 : memref<640x16xf32, #tpu.memory_space<hbm>>) target(%dma_start3A_13 : memref<640x16xf32, #tpu.memory_space<vmem_shared>>) target_semaphore(%run_scoped3A : memref<!tpu.dma_semaphore, #tpu.memory_space<semaphore_mem>>)
      %dma_wait3A = arith.constant 0 : i32
      %dma_wait3A_14 = tpu.memref_slice %arg8[%mul3A_2, %dma_wait3A] : memref<10240x16xf32, #tpu.memory_space<vmem_shared>> -> memref<640x16xf32, #tpu.memory_space<vmem_shared>>
      tpu.wait_dma2 semaphore(%run_scoped3A : memref<!tpu.dma_semaphore, #tpu.memory_space<semaphore_mem>>) src(%arg4 : memref<640x16xf32, #tpu.memory_space<hbm>>) dst(%dma_wait3A_14 : memref<640x16xf32, #tpu.memory_space<vmem_shared>>)
      tpu.yield
    }) : () -> ()
    %barrier3A = arith.constant 0 : index
    tpu.barrier barrier_id(%barrier3A)
    %scan3A = arith.constant 0 : i32
    %scan3A_3 = arith.constant 0 : i32
    %scan3A_4 = arith.constant 80 : i32
    %scan3A_5 = arith.addi %scan3A_3, %scan3A_4 : i32
    %scan3A_6 = arith.constant 1 : i32
    scf.for %scan3A_13 = %scan3A_3 to %scan3A_5 step %scan3A_6  : i32 {
      "tpu.region"() ({
        %run_scoped3A = tpu.sem_alloc : memref<!tpu.dma_semaphore, #tpu.memory_space<semaphore_mem>>
        %dma_start3A = arith.constant 0 : i32
        %dma_start3A_14 = tpu.memref_slice %arg6[%scan3A_13, %dma_start3A] : memref<80x128xi32, #tpu.memory_space<vmem>> -> memref<1x128xi32, #tpu.memory_space<vmem>>
        %dma_start3A_15 = tpu.memref_squeeze %dma_start3A_14 : memref<1x128xi32, #tpu.memory_space<vmem>> -> memref<128xi32, #tpu.memory_space<vmem>>
        %dma_start3A_16 = arith.constant 0 : i32
        %dma_start3A_17 = arith.constant 0 : i32
        %dma_start3A_18 = tpu.memref_slice %arg8[%dma_start3A_16, %dma_start3A_17] : memref<10240x16xf32, #tpu.memory_space<vmem_shared>> -> memref<10240x16xf32, #tpu.memory_space<vmem_shared>>
        tpu.enqueue_indirect_dma source(%arg7 : memref<128x16xf32, #tpu.memory_space<vmem>>) target(%dma_start3A_18 : memref<10240x16xf32, #tpu.memory_space<vmem_shared>>) offsets(%dma_start3A_15 : memref<128xi32, #tpu.memory_space<vmem>>) semaphore(%run_scoped3A : memref<!tpu.dma_semaphore, #tpu.memory_space<semaphore_mem>>) {add = true}
        %dma_wait3A = arith.constant 0 : i32
        %dma_wait3A_19 = tpu.memref_slice %arg6[%scan3A_13, %dma_wait3A] : memref<80x128xi32, #tpu.memory_space<vmem>> -> memref<1x128xi32, #tpu.memory_space<vmem>>
        %dma_wait3A_20 = tpu.memref_squeeze %dma_wait3A_19 : memref<1x128xi32, #tpu.memory_space<vmem>> -> memref<128xi32, #tpu.memory_space<vmem>>
        %dma_wait3A_21 = arith.constant 0 : i32
        %dma_wait3A_22 = arith.constant 0 : i32
        %dma_wait3A_23 = tpu.memref_slice %arg8[%dma_wait3A_21, %dma_wait3A_22] : memref<10240x16xf32, #tpu.memory_space<vmem_shared>> -> memref<10240x16xf32, #tpu.memory_space<vmem_shared>>
        tpu.wait_indirect_dma semaphore(%run_scoped3A : memref<!tpu.dma_semaphore, #tpu.memory_space<semaphore_mem>>) src(%arg7 : memref<128x16xf32, #tpu.memory_space<vmem>>) dst(%dma_wait3A_23 : memref<10240x16xf32, #tpu.memory_space<vmem_shared>>)
        tpu.yield
      }) : () -> ()
    }
    %scan3A_7 = arith.constant 80 : i32
    %barrier3A_8 = arith.constant 0 : index
    tpu.barrier barrier_id(%barrier3A_8)
    %mul3A_9 = arith.constant 640 : i32
    %mul3A_10 = arith.muli %arg1, %mul3A_9 : i32
    %mul3A_11 = arith.constant 640 : i32
    %mul3A_12 = arith.muli %arg1, %mul3A_11 : i32
    "tpu.region"() ({
      %run_scoped3A = tpu.sem_alloc : memref<!tpu.dma_semaphore, #tpu.memory_space<semaphore_mem>>
      %dma_start3A = arith.constant 0 : i32
      %dma_start3A_13 = tpu.memref_slice %arg5[%arg0, %mul3A_12, %dma_start3A] : memref<2x10240x16xf32, #tpu.memory_space<hbm>> -> memref<1x640x16xf32, #tpu.memory_space<hbm>>
      %dma_start3A_14 = tpu.memref_squeeze %dma_start3A_13 : memref<1x640x16xf32, #tpu.memory_space<hbm>> -> memref<640x16xf32, #tpu.memory_space<hbm>>
      %dma_start3A_15 = arith.constant 0 : i32
      %dma_start3A_16 = tpu.memref_slice %arg8[%mul3A_10, %dma_start3A_15] : memref<10240x16xf32, #tpu.memory_space<vmem_shared>> -> memref<640x16xf32, #tpu.memory_space<vmem_shared>>
      tpu.enqueue_dma source(%dma_start3A_16 : memref<640x16xf32, #tpu.memory_space<vmem_shared>>) target(%dma_start3A_14 : memref<640x16xf32, #tpu.memory_space<hbm>>) target_semaphore(%run_scoped3A : memref<!tpu.dma_semaphore, #tpu.memory_space<semaphore_mem>>)
      %dma_wait3A = arith.constant 0 : i32
      %dma_wait3A_17 = tpu.memref_slice %arg5[%arg0, %mul3A_12, %dma_wait3A] : memref<2x10240x16xf32, #tpu.memory_space<hbm>> -> memref<1x640x16xf32, #tpu.memory_space<hbm>>
      %dma_wait3A_18 = tpu.memref_squeeze %dma_wait3A_17 : memref<1x640x16xf32, #tpu.memory_space<hbm>> -> memref<640x16xf32, #tpu.memory_space<hbm>>
      %dma_wait3A_19 = arith.constant 0 : i32
      %dma_wait3A_20 = tpu.memref_slice %arg8[%mul3A_10, %dma_wait3A_19] : memref<10240x16xf32, #tpu.memory_space<vmem_shared>> -> memref<640x16xf32, #tpu.memory_space<vmem_shared>>
      tpu.wait_dma2 semaphore(%run_scoped3A : memref<!tpu.dma_semaphore, #tpu.memory_space<semaphore_mem>>) src(%dma_wait3A_20 : memref<640x16xf32, #tpu.memory_space<vmem_shared>>) dst(%dma_wait3A_18 : memref<640x16xf32, #tpu.memory_space<hbm>>)
      tpu.yield
    }) : () -> ()
    return
  }
}

#map = affine_map<(d0, d1) -> (0, 0, 0)>
#map1 = affine_map<(d0, d1) -> (0, 0)>
module attributes {stable_mosaic.version = 14 : i64} {
  func.func @_scatter_kernel(%arg0: i32, %arg1: i32, %arg2: memref<32x80x128xi32, #tpu.memory_space<hbm>>, %arg3: memref<32x80x128xi32, #tpu.memory_space<hbm>>, %arg4: memref<10240x112xf32, #tpu.memory_space<hbm>>, %arg5: memref<640x112xf32, #tpu.memory_space<hbm>>, %arg6: memref<2x10240x112xf32, #tpu.memory_space<hbm>>, %arg7: memref<80x128xi32, #tpu.memory_space<vmem>>, %arg8: memref<80x128xi32, #tpu.memory_space<vmem>>, %arg9: memref<128x112xf32, #tpu.memory_space<vmem>>, %arg10: memref<128x112xf32, #tpu.memory_space<vmem>>, %arg11: memref<!tpu.dma_semaphore, #tpu.memory_space<semaphore_mem>>, %arg12: memref<!tpu.dma_semaphore, #tpu.memory_space<semaphore_mem>>, %arg13: memref<!tpu.dma_semaphore, #tpu.memory_space<semaphore_mem>>, %arg14: memref<!tpu.dma_semaphore, #tpu.memory_space<semaphore_mem>>, %arg15: memref<10240x112xf32, #tpu.memory_space<vmem_shared>>) attributes {dimension_semantics = [#tpu.dimension_semantics<core_parallel>, #tpu.dimension_semantics<subcore_parallel>], iteration_bounds = array<i64: 2, 16>, scalar_prefetch = 0 : i64, scratch_operands = 9 : i64, tpu.core_type = #tpu.core_type<sc_vector_subcore>, window_params = [{transform_indices = #map}, {transform_indices = #map}, {transform_indices = #map1}, {transform_indices = #map1}, {transform_indices = #map}]} {
    %mul3A = arith.constant 2 : i32
    %mul3A_0 = arith.muli %arg1, %mul3A : i32
    %add3A = arith.addi %mul3A_0, %arg0 : i32
    "tpu.region"() ({
      %run_scoped3A = tpu.sem_alloc : memref<!tpu.dma_semaphore, #tpu.memory_space<semaphore_mem>>
      %dma_start3A_67 = arith.constant 0 : i32
      %dma_start3A_68 = arith.constant 0 : i32
      %dma_start3A_69 = tpu.memref_slice %arg2[%add3A, %dma_start3A_67, %dma_start3A_68] : memref<32x80x128xi32, #tpu.memory_space<hbm>> -> memref<1x80x128xi32, #tpu.memory_space<hbm>>
      %dma_start3A_70 = tpu.memref_squeeze %dma_start3A_69 : memref<1x80x128xi32, #tpu.memory_space<hbm>> -> memref<80x128xi32, #tpu.memory_space<hbm>>
      %dma_start3A_71 = arith.constant 0 : i32
      %dma_start3A_72 = arith.constant 0 : i32
      %dma_start3A_73 = tpu.memref_slice %arg2[%add3A, %dma_start3A_71, %dma_start3A_72] : memref<32x80x128xi32, #tpu.memory_space<hbm>> -> memref<1x80x128xi32, #tpu.memory_space<hbm>>
      %dma_start3A_74 = tpu.memref_squeeze %dma_start3A_73 : memref<1x80x128xi32, #tpu.memory_space<hbm>> -> memref<80x128xi32, #tpu.memory_space<hbm>>
      tpu.enqueue_dma source(%dma_start3A_74 : memref<80x128xi32, #tpu.memory_space<hbm>>) target(%arg7 : memref<80x128xi32, #tpu.memory_space<vmem>>) target_semaphore(%run_scoped3A : memref<!tpu.dma_semaphore, #tpu.memory_space<semaphore_mem>>)
      %dma_wait3A_75 = arith.constant 0 : i32
      %dma_wait3A_76 = arith.constant 0 : i32
      %dma_wait3A_77 = tpu.memref_slice %arg2[%add3A, %dma_wait3A_75, %dma_wait3A_76] : memref<32x80x128xi32, #tpu.memory_space<hbm>> -> memref<1x80x128xi32, #tpu.memory_space<hbm>>
      %dma_wait3A_78 = tpu.memref_squeeze %dma_wait3A_77 : memref<1x80x128xi32, #tpu.memory_space<hbm>> -> memref<80x128xi32, #tpu.memory_space<hbm>>
      %dma_wait3A_79 = arith.constant 0 : i32
      %dma_wait3A_80 = arith.constant 0 : i32
      %dma_wait3A_81 = tpu.memref_slice %arg2[%add3A, %dma_wait3A_79, %dma_wait3A_80] : memref<32x80x128xi32, #tpu.memory_space<hbm>> -> memref<1x80x128xi32, #tpu.memory_space<hbm>>
      %dma_wait3A_82 = tpu.memref_squeeze %dma_wait3A_81 : memref<1x80x128xi32, #tpu.memory_space<hbm>> -> memref<80x128xi32, #tpu.memory_space<hbm>>
      tpu.wait_dma2 semaphore(%run_scoped3A : memref<!tpu.dma_semaphore, #tpu.memory_space<semaphore_mem>>) src(%dma_wait3A_82 : memref<80x128xi32, #tpu.memory_space<hbm>>) dst(%arg7 : memref<80x128xi32, #tpu.memory_space<vmem>>)
      tpu.yield
    }) : () -> ()
    "tpu.region"() ({
      %run_scoped3A = tpu.sem_alloc : memref<!tpu.dma_semaphore, #tpu.memory_space<semaphore_mem>>
      %dma_start3A_67 = arith.constant 0 : i32
      %dma_start3A_68 = arith.constant 0 : i32
      %dma_start3A_69 = tpu.memref_slice %arg3[%add3A, %dma_start3A_67, %dma_start3A_68] : memref<32x80x128xi32, #tpu.memory_space<hbm>> -> memref<1x80x128xi32, #tpu.memory_space<hbm>>
      %dma_start3A_70 = tpu.memref_squeeze %dma_start3A_69 : memref<1x80x128xi32, #tpu.memory_space<hbm>> -> memref<80x128xi32, #tpu.memory_space<hbm>>
      %dma_start3A_71 = arith.constant 0 : i32
      %dma_start3A_72 = arith.constant 0 : i32
      %dma_start3A_73 = tpu.memref_slice %arg3[%add3A, %dma_start3A_71, %dma_start3A_72] : memref<32x80x128xi32, #tpu.memory_space<hbm>> -> memref<1x80x128xi32, #tpu.memory_space<hbm>>
      %dma_start3A_74 = tpu.memref_squeeze %dma_start3A_73 : memref<1x80x128xi32, #tpu.memory_space<hbm>> -> memref<80x128xi32, #tpu.memory_space<hbm>>
      tpu.enqueue_dma source(%dma_start3A_74 : memref<80x128xi32, #tpu.memory_space<hbm>>) target(%arg8 : memref<80x128xi32, #tpu.memory_space<vmem>>) target_semaphore(%run_scoped3A : memref<!tpu.dma_semaphore, #tpu.memory_space<semaphore_mem>>)
      %dma_wait3A_75 = arith.constant 0 : i32
      %dma_wait3A_76 = arith.constant 0 : i32
      %dma_wait3A_77 = tpu.memref_slice %arg3[%add3A, %dma_wait3A_75, %dma_wait3A_76] : memref<32x80x128xi32, #tpu.memory_space<hbm>> -> memref<1x80x128xi32, #tpu.memory_space<hbm>>
      %dma_wait3A_78 = tpu.memref_squeeze %dma_wait3A_77 : memref<1x80x128xi32, #tpu.memory_space<hbm>> -> memref<80x128xi32, #tpu.memory_space<hbm>>
      %dma_wait3A_79 = arith.constant 0 : i32
      %dma_wait3A_80 = arith.constant 0 : i32
      %dma_wait3A_81 = tpu.memref_slice %arg3[%add3A, %dma_wait3A_79, %dma_wait3A_80] : memref<32x80x128xi32, #tpu.memory_space<hbm>> -> memref<1x80x128xi32, #tpu.memory_space<hbm>>
      %dma_wait3A_82 = tpu.memref_squeeze %dma_wait3A_81 : memref<1x80x128xi32, #tpu.memory_space<hbm>> -> memref<80x128xi32, #tpu.memory_space<hbm>>
      tpu.wait_dma2 semaphore(%run_scoped3A : memref<!tpu.dma_semaphore, #tpu.memory_space<semaphore_mem>>) src(%dma_wait3A_82 : memref<80x128xi32, #tpu.memory_space<hbm>>) dst(%arg8 : memref<80x128xi32, #tpu.memory_space<vmem>>)
      tpu.yield
    }) : () -> ()
    %mul3A_1 = arith.constant 640 : i32
    %mul3A_2 = arith.muli %arg1, %mul3A_1 : i32
    "tpu.region"() ({
      %run_scoped3A = tpu.sem_alloc : memref<!tpu.dma_semaphore, #tpu.memory_space<semaphore_mem>>
      %dma_start3A_67 = arith.constant 0 : i32
      %dma_start3A_68 = tpu.memref_slice %arg15[%mul3A_2, %dma_start3A_67] : memref<10240x112xf32, #tpu.memory_space<vmem_shared>> -> memref<640x112xf32, #tpu.memory_space<vmem_shared>>
      tpu.enqueue_dma source(%arg5 : memref<640x112xf32, #tpu.memory_space<hbm>>) target(%dma_start3A_68 : memref<640x112xf32, #tpu.memory_space<vmem_shared>>) target_semaphore(%run_scoped3A : memref<!tpu.dma_semaphore, #tpu.memory_space<semaphore_mem>>)
      %dma_wait3A_69 = arith.constant 0 : i32
      %dma_wait3A_70 = tpu.memref_slice %arg15[%mul3A_2, %dma_wait3A_69] : memref<10240x112xf32, #tpu.memory_space<vmem_shared>> -> memref<640x112xf32, #tpu.memory_space<vmem_shared>>
      tpu.wait_dma2 semaphore(%run_scoped3A : memref<!tpu.dma_semaphore, #tpu.memory_space<semaphore_mem>>) src(%arg5 : memref<640x112xf32, #tpu.memory_space<hbm>>) dst(%dma_wait3A_70 : memref<640x112xf32, #tpu.memory_space<vmem_shared>>)
      tpu.yield
    }) : () -> ()
    %barrier3A = arith.constant 0 : index
    tpu.barrier barrier_id(%barrier3A)
    %dma_start3A = arith.constant 0 : i32
    %dma_start3A_3 = arith.constant 0 : i32
    %dma_start3A_4 = tpu.memref_slice %arg7[%dma_start3A, %dma_start3A_3] : memref<80x128xi32, #tpu.memory_space<vmem>> -> memref<1x128xi32, #tpu.memory_space<vmem>>
    %dma_start3A_5 = tpu.memref_squeeze %dma_start3A_4 : memref<1x128xi32, #tpu.memory_space<vmem>> -> memref<128xi32, #tpu.memory_space<vmem>>
    %dma_start3A_6 = arith.constant 0 : i32
    %dma_start3A_7 = arith.constant 0 : i32
    %dma_start3A_8 = tpu.memref_slice %arg4[%dma_start3A_6, %dma_start3A_7] : memref<10240x112xf32, #tpu.memory_space<hbm>> -> memref<10240x112xf32, #tpu.memory_space<hbm>>
    tpu.enqueue_indirect_dma source(%dma_start3A_8 : memref<10240x112xf32, #tpu.memory_space<hbm>>) target(%arg9 : memref<128x112xf32, #tpu.memory_space<vmem>>) offsets(%dma_start3A_5 : memref<128xi32, #tpu.memory_space<vmem>>) semaphore(%arg11 : memref<!tpu.dma_semaphore, #tpu.memory_space<semaphore_mem>>)
    %dma_start3A_9 = arith.constant 1 : i32
    %dma_start3A_10 = arith.constant 0 : i32
    %dma_start3A_11 = tpu.memref_slice %arg7[%dma_start3A_9, %dma_start3A_10] : memref<80x128xi32, #tpu.memory_space<vmem>> -> memref<1x128xi32, #tpu.memory_space<vmem>>
    %dma_start3A_12 = tpu.memref_squeeze %dma_start3A_11 : memref<1x128xi32, #tpu.memory_space<vmem>> -> memref<128xi32, #tpu.memory_space<vmem>>
    %dma_start3A_13 = arith.constant 0 : i32
    %dma_start3A_14 = arith.constant 0 : i32
    %dma_start3A_15 = tpu.memref_slice %arg4[%dma_start3A_13, %dma_start3A_14] : memref<10240x112xf32, #tpu.memory_space<hbm>> -> memref<10240x112xf32, #tpu.memory_space<hbm>>
    tpu.enqueue_indirect_dma source(%dma_start3A_15 : memref<10240x112xf32, #tpu.memory_space<hbm>>) target(%arg10 : memref<128x112xf32, #tpu.memory_space<vmem>>) offsets(%dma_start3A_12 : memref<128xi32, #tpu.memory_space<vmem>>) semaphore(%arg12 : memref<!tpu.dma_semaphore, #tpu.memory_space<semaphore_mem>>)
    %scan3A = arith.constant 0 : i32
    %scan3A_16 = arith.constant 0 : i32
    %scan3A_17 = arith.constant 39 : i32
    %scan3A_18 = arith.addi %scan3A_16, %scan3A_17 : i32
    %scan3A_19 = arith.constant 1 : i32
    scf.for %scan3A_67 = %scan3A_16 to %scan3A_18 step %scan3A_19  : i32 {
      %mul3A_68 = arith.constant 2 : i32
      %mul3A_69 = arith.muli %scan3A_67, %mul3A_68 : i32
      %add3A_70 = arith.constant 0 : i32
      %add3A_71 = arith.addi %mul3A_69, %add3A_70 : i32
      %dma_wait3A_72 = arith.constant 0 : i32
      %dma_wait3A_73 = tpu.memref_slice %arg7[%add3A_71, %dma_wait3A_72] : memref<80x128xi32, #tpu.memory_space<vmem>> -> memref<1x128xi32, #tpu.memory_space<vmem>>
      %dma_wait3A_74 = tpu.memref_squeeze %dma_wait3A_73 : memref<1x128xi32, #tpu.memory_space<vmem>> -> memref<128xi32, #tpu.memory_space<vmem>>
      %dma_wait3A_75 = arith.constant 0 : i32
      %dma_wait3A_76 = arith.constant 0 : i32
      %dma_wait3A_77 = tpu.memref_slice %arg4[%dma_wait3A_75, %dma_wait3A_76] : memref<10240x112xf32, #tpu.memory_space<hbm>> -> memref<10240x112xf32, #tpu.memory_space<hbm>>
      tpu.wait_indirect_dma semaphore(%arg11 : memref<!tpu.dma_semaphore, #tpu.memory_space<semaphore_mem>>) src(%dma_wait3A_77 : memref<10240x112xf32, #tpu.memory_space<hbm>>) dst(%arg9 : memref<128x112xf32, #tpu.memory_space<vmem>>)
      %add3A_78 = arith.constant 0 : i32
      %add3A_79 = arith.addi %mul3A_69, %add3A_78 : i32
      %dma_start3A_80 = arith.constant 0 : i32
      %dma_start3A_81 = tpu.memref_slice %arg8[%add3A_79, %dma_start3A_80] : memref<80x128xi32, #tpu.memory_space<vmem>> -> memref<1x128xi32, #tpu.memory_space<vmem>>
      %dma_start3A_82 = tpu.memref_squeeze %dma_start3A_81 : memref<1x128xi32, #tpu.memory_space<vmem>> -> memref<128xi32, #tpu.memory_space<vmem>>
      %dma_start3A_83 = arith.constant 0 : i32
      %dma_start3A_84 = arith.constant 0 : i32
      %dma_start3A_85 = tpu.memref_slice %arg15[%dma_start3A_83, %dma_start3A_84] : memref<10240x112xf32, #tpu.memory_space<vmem_shared>> -> memref<10240x112xf32, #tpu.memory_space<vmem_shared>>
      tpu.enqueue_indirect_dma source(%arg9 : memref<128x112xf32, #tpu.memory_space<vmem>>) target(%dma_start3A_85 : memref<10240x112xf32, #tpu.memory_space<vmem_shared>>) offsets(%dma_start3A_82 : memref<128xi32, #tpu.memory_space<vmem>>) semaphore(%arg13 : memref<!tpu.dma_semaphore, #tpu.memory_space<semaphore_mem>>) {add = true}
      %add3A_86 = arith.constant 1 : i32
      %add3A_87 = arith.addi %mul3A_69, %add3A_86 : i32
      %dma_wait3A_88 = arith.constant 0 : i32
      %dma_wait3A_89 = tpu.memref_slice %arg7[%add3A_87, %dma_wait3A_88] : memref<80x128xi32, #tpu.memory_space<vmem>> -> memref<1x128xi32, #tpu.memory_space<vmem>>
      %dma_wait3A_90 = tpu.memref_squeeze %dma_wait3A_89 : memref<1x128xi32, #tpu.memory_space<vmem>> -> memref<128xi32, #tpu.memory_space<vmem>>
      %dma_wait3A_91 = arith.constant 0 : i32
      %dma_wait3A_92 = arith.constant 0 : i32
      %dma_wait3A_93 = tpu.memref_slice %arg4[%dma_wait3A_91, %dma_wait3A_92] : memref<10240x112xf32, #tpu.memory_space<hbm>> -> memref<10240x112xf32, #tpu.memory_space<hbm>>
      tpu.wait_indirect_dma semaphore(%arg12 : memref<!tpu.dma_semaphore, #tpu.memory_space<semaphore_mem>>) src(%dma_wait3A_93 : memref<10240x112xf32, #tpu.memory_space<hbm>>) dst(%arg10 : memref<128x112xf32, #tpu.memory_space<vmem>>)
      %add3A_94 = arith.constant 1 : i32
      %add3A_95 = arith.addi %mul3A_69, %add3A_94 : i32
      %dma_start3A_96 = arith.constant 0 : i32
      %dma_start3A_97 = tpu.memref_slice %arg8[%add3A_95, %dma_start3A_96] : memref<80x128xi32, #tpu.memory_space<vmem>> -> memref<1x128xi32, #tpu.memory_space<vmem>>
      %dma_start3A_98 = tpu.memref_squeeze %dma_start3A_97 : memref<1x128xi32, #tpu.memory_space<vmem>> -> memref<128xi32, #tpu.memory_space<vmem>>
      %dma_start3A_99 = arith.constant 0 : i32
      %dma_start3A_100 = arith.constant 0 : i32
      %dma_start3A_101 = tpu.memref_slice %arg15[%dma_start3A_99, %dma_start3A_100] : memref<10240x112xf32, #tpu.memory_space<vmem_shared>> -> memref<10240x112xf32, #tpu.memory_space<vmem_shared>>
      tpu.enqueue_indirect_dma source(%arg10 : memref<128x112xf32, #tpu.memory_space<vmem>>) target(%dma_start3A_101 : memref<10240x112xf32, #tpu.memory_space<vmem_shared>>) offsets(%dma_start3A_98 : memref<128xi32, #tpu.memory_space<vmem>>) semaphore(%arg14 : memref<!tpu.dma_semaphore, #tpu.memory_space<semaphore_mem>>) {add = true}
      %add3A_102 = arith.constant 0 : i32
      %add3A_103 = arith.addi %mul3A_69, %add3A_102 : i32
      %dma_wait3A_104 = arith.constant 0 : i32
      %dma_wait3A_105 = tpu.memref_slice %arg8[%add3A_103, %dma_wait3A_104] : memref<80x128xi32, #tpu.memory_space<vmem>> -> memref<1x128xi32, #tpu.memory_space<vmem>>
      %dma_wait3A_106 = tpu.memref_squeeze %dma_wait3A_105 : memref<1x128xi32, #tpu.memory_space<vmem>> -> memref<128xi32, #tpu.memory_space<vmem>>
      %dma_wait3A_107 = arith.constant 0 : i32
      %dma_wait3A_108 = arith.constant 0 : i32
      %dma_wait3A_109 = tpu.memref_slice %arg15[%dma_wait3A_107, %dma_wait3A_108] : memref<10240x112xf32, #tpu.memory_space<vmem_shared>> -> memref<10240x112xf32, #tpu.memory_space<vmem_shared>>
      tpu.wait_indirect_dma semaphore(%arg13 : memref<!tpu.dma_semaphore, #tpu.memory_space<semaphore_mem>>) src(%arg9 : memref<128x112xf32, #tpu.memory_space<vmem>>) dst(%dma_wait3A_109 : memref<10240x112xf32, #tpu.memory_space<vmem_shared>>)
      %add3A_110 = arith.constant 0 : i32
      %add3A_111 = arith.addi %mul3A_69, %add3A_110 : i32
      %add3A_112 = arith.constant 2 : i32
      %add3A_113 = arith.addi %add3A_111, %add3A_112 : i32
      %dma_start3A_114 = arith.constant 0 : i32
      %dma_start3A_115 = tpu.memref_slice %arg7[%add3A_113, %dma_start3A_114] : memref<80x128xi32, #tpu.memory_space<vmem>> -> memref<1x128xi32, #tpu.memory_space<vmem>>
      %dma_start3A_116 = tpu.memref_squeeze %dma_start3A_115 : memref<1x128xi32, #tpu.memory_space<vmem>> -> memref<128xi32, #tpu.memory_space<vmem>>
      %dma_start3A_117 = arith.constant 0 : i32
      %dma_start3A_118 = arith.constant 0 : i32
      %dma_start3A_119 = tpu.memref_slice %arg4[%dma_start3A_117, %dma_start3A_118] : memref<10240x112xf32, #tpu.memory_space<hbm>> -> memref<10240x112xf32, #tpu.memory_space<hbm>>
      tpu.enqueue_indirect_dma source(%dma_start3A_119 : memref<10240x112xf32, #tpu.memory_space<hbm>>) target(%arg9 : memref<128x112xf32, #tpu.memory_space<vmem>>) offsets(%dma_start3A_116 : memref<128xi32, #tpu.memory_space<vmem>>) semaphore(%arg11 : memref<!tpu.dma_semaphore, #tpu.memory_space<semaphore_mem>>)
      %add3A_120 = arith.constant 1 : i32
      %add3A_121 = arith.addi %mul3A_69, %add3A_120 : i32
      %dma_wait3A_122 = arith.constant 0 : i32
      %dma_wait3A_123 = tpu.memref_slice %arg8[%add3A_121, %dma_wait3A_122] : memref<80x128xi32, #tpu.memory_space<vmem>> -> memref<1x128xi32, #tpu.memory_space<vmem>>
      %dma_wait3A_124 = tpu.memref_squeeze %dma_wait3A_123 : memref<1x128xi32, #tpu.memory_space<vmem>> -> memref<128xi32, #tpu.memory_space<vmem>>
      %dma_wait3A_125 = arith.constant 0 : i32
      %dma_wait3A_126 = arith.constant 0 : i32
      %dma_wait3A_127 = tpu.memref_slice %arg15[%dma_wait3A_125, %dma_wait3A_126] : memref<10240x112xf32, #tpu.memory_space<vmem_shared>> -> memref<10240x112xf32, #tpu.memory_space<vmem_shared>>
      tpu.wait_indirect_dma semaphore(%arg14 : memref<!tpu.dma_semaphore, #tpu.memory_space<semaphore_mem>>) src(%arg10 : memref<128x112xf32, #tpu.memory_space<vmem>>) dst(%dma_wait3A_127 : memref<10240x112xf32, #tpu.memory_space<vmem_shared>>)
      %add3A_128 = arith.constant 1 : i32
      %add3A_129 = arith.addi %mul3A_69, %add3A_128 : i32
      %add3A_130 = arith.constant 2 : i32
      %add3A_131 = arith.addi %add3A_129, %add3A_130 : i32
      %dma_start3A_132 = arith.constant 0 : i32
      %dma_start3A_133 = tpu.memref_slice %arg7[%add3A_131, %dma_start3A_132] : memref<80x128xi32, #tpu.memory_space<vmem>> -> memref<1x128xi32, #tpu.memory_space<vmem>>
      %dma_start3A_134 = tpu.memref_squeeze %dma_start3A_133 : memref<1x128xi32, #tpu.memory_space<vmem>> -> memref<128xi32, #tpu.memory_space<vmem>>
      %dma_start3A_135 = arith.constant 0 : i32
      %dma_start3A_136 = arith.constant 0 : i32
      %dma_start3A_137 = tpu.memref_slice %arg4[%dma_start3A_135, %dma_start3A_136] : memref<10240x112xf32, #tpu.memory_space<hbm>> -> memref<10240x112xf32, #tpu.memory_space<hbm>>
      tpu.enqueue_indirect_dma source(%dma_start3A_137 : memref<10240x112xf32, #tpu.memory_space<hbm>>) target(%arg10 : memref<128x112xf32, #tpu.memory_space<vmem>>) offsets(%dma_start3A_134 : memref<128xi32, #tpu.memory_space<vmem>>) semaphore(%arg12 : memref<!tpu.dma_semaphore, #tpu.memory_space<semaphore_mem>>)
    }
    %scan3A_20 = arith.constant 39 : i32
    %dma_wait3A = arith.constant 78 : i32
    %dma_wait3A_21 = arith.constant 0 : i32
    %dma_wait3A_22 = tpu.memref_slice %arg7[%dma_wait3A, %dma_wait3A_21] : memref<80x128xi32, #tpu.memory_space<vmem>> -> memref<1x128xi32, #tpu.memory_space<vmem>>
    %dma_wait3A_23 = tpu.memref_squeeze %dma_wait3A_22 : memref<1x128xi32, #tpu.memory_space<vmem>> -> memref<128xi32, #tpu.memory_space<vmem>>
    %dma_wait3A_24 = arith.constant 0 : i32
    %dma_wait3A_25 = arith.constant 0 : i32
    %dma_wait3A_26 = tpu.memref_slice %arg4[%dma_wait3A_24, %dma_wait3A_25] : memref<10240x112xf32, #tpu.memory_space<hbm>> -> memref<10240x112xf32, #tpu.memory_space<hbm>>
    tpu.wait_indirect_dma semaphore(%arg11 : memref<!tpu.dma_semaphore, #tpu.memory_space<semaphore_mem>>) src(%dma_wait3A_26 : memref<10240x112xf32, #tpu.memory_space<hbm>>) dst(%arg9 : memref<128x112xf32, #tpu.memory_space<vmem>>)
    %dma_start3A_27 = arith.constant 78 : i32
    %dma_start3A_28 = arith.constant 0 : i32
    %dma_start3A_29 = tpu.memref_slice %arg8[%dma_start3A_27, %dma_start3A_28] : memref<80x128xi32, #tpu.memory_space<vmem>> -> memref<1x128xi32, #tpu.memory_space<vmem>>
    %dma_start3A_30 = tpu.memref_squeeze %dma_start3A_29 : memref<1x128xi32, #tpu.memory_space<vmem>> -> memref<128xi32, #tpu.memory_space<vmem>>
    %dma_start3A_31 = arith.constant 0 : i32
    %dma_start3A_32 = arith.constant 0 : i32
    %dma_start3A_33 = tpu.memref_slice %arg15[%dma_start3A_31, %dma_start3A_32] : memref<10240x112xf32, #tpu.memory_space<vmem_shared>> -> memref<10240x112xf32, #tpu.memory_space<vmem_shared>>
    tpu.enqueue_indirect_dma source(%arg9 : memref<128x112xf32, #tpu.memory_space<vmem>>) target(%dma_start3A_33 : memref<10240x112xf32, #tpu.memory_space<vmem_shared>>) offsets(%dma_start3A_30 : memref<128xi32, #tpu.memory_space<vmem>>) semaphore(%arg13 : memref<!tpu.dma_semaphore, #tpu.memory_space<semaphore_mem>>) {add = true}
    %dma_wait3A_34 = arith.constant 79 : i32
    %dma_wait3A_35 = arith.constant 0 : i32
    %dma_wait3A_36 = tpu.memref_slice %arg7[%dma_wait3A_34, %dma_wait3A_35] : memref<80x128xi32, #tpu.memory_space<vmem>> -> memref<1x128xi32, #tpu.memory_space<vmem>>
    %dma_wait3A_37 = tpu.memref_squeeze %dma_wait3A_36 : memref<1x128xi32, #tpu.memory_space<vmem>> -> memref<128xi32, #tpu.memory_space<vmem>>
    %dma_wait3A_38 = arith.constant 0 : i32
    %dma_wait3A_39 = arith.constant 0 : i32
    %dma_wait3A_40 = tpu.memref_slice %arg4[%dma_wait3A_38, %dma_wait3A_39] : memref<10240x112xf32, #tpu.memory_space<hbm>> -> memref<10240x112xf32, #tpu.memory_space<hbm>>
    tpu.wait_indirect_dma semaphore(%arg12 : memref<!tpu.dma_semaphore, #tpu.memory_space<semaphore_mem>>) src(%dma_wait3A_40 : memref<10240x112xf32, #tpu.memory_space<hbm>>) dst(%arg10 : memref<128x112xf32, #tpu.memory_space<vmem>>)
    %dma_start3A_41 = arith.constant 79 : i32
    %dma_start3A_42 = arith.constant 0 : i32
    %dma_start3A_43 = tpu.memref_slice %arg8[%dma_start3A_41, %dma_start3A_42] : memref<80x128xi32, #tpu.memory_space<vmem>> -> memref<1x128xi32, #tpu.memory_space<vmem>>
    %dma_start3A_44 = tpu.memref_squeeze %dma_start3A_43 : memref<1x128xi32, #tpu.memory_space<vmem>> -> memref<128xi32, #tpu.memory_space<vmem>>
    %dma_start3A_45 = arith.constant 0 : i32
    %dma_start3A_46 = arith.constant 0 : i32
    %dma_start3A_47 = tpu.memref_slice %arg15[%dma_start3A_45, %dma_start3A_46] : memref<10240x112xf32, #tpu.memory_space<vmem_shared>> -> memref<10240x112xf32, #tpu.memory_space<vmem_shared>>
    tpu.enqueue_indirect_dma source(%arg10 : memref<128x112xf32, #tpu.memory_space<vmem>>) target(%dma_start3A_47 : memref<10240x112xf32, #tpu.memory_space<vmem_shared>>) offsets(%dma_start3A_44 : memref<128xi32, #tpu.memory_space<vmem>>) semaphore(%arg14 : memref<!tpu.dma_semaphore, #tpu.memory_space<semaphore_mem>>) {add = true}
    %dma_wait3A_48 = arith.constant 78 : i32
    %dma_wait3A_49 = arith.constant 0 : i32
    %dma_wait3A_50 = tpu.memref_slice %arg8[%dma_wait3A_48, %dma_wait3A_49] : memref<80x128xi32, #tpu.memory_space<vmem>> -> memref<1x128xi32, #tpu.memory_space<vmem>>
    %dma_wait3A_51 = tpu.memref_squeeze %dma_wait3A_50 : memref<1x128xi32, #tpu.memory_space<vmem>> -> memref<128xi32, #tpu.memory_space<vmem>>
    %dma_wait3A_52 = arith.constant 0 : i32
    %dma_wait3A_53 = arith.constant 0 : i32
    %dma_wait3A_54 = tpu.memref_slice %arg15[%dma_wait3A_52, %dma_wait3A_53] : memref<10240x112xf32, #tpu.memory_space<vmem_shared>> -> memref<10240x112xf32, #tpu.memory_space<vmem_shared>>
    tpu.wait_indirect_dma semaphore(%arg13 : memref<!tpu.dma_semaphore, #tpu.memory_space<semaphore_mem>>) src(%arg9 : memref<128x112xf32, #tpu.memory_space<vmem>>) dst(%dma_wait3A_54 : memref<10240x112xf32, #tpu.memory_space<vmem_shared>>)
    %dma_wait3A_55 = arith.constant 79 : i32
    %dma_wait3A_56 = arith.constant 0 : i32
    %dma_wait3A_57 = tpu.memref_slice %arg8[%dma_wait3A_55, %dma_wait3A_56] : memref<80x128xi32, #tpu.memory_space<vmem>> -> memref<1x128xi32, #tpu.memory_space<vmem>>
    %dma_wait3A_58 = tpu.memref_squeeze %dma_wait3A_57 : memref<1x128xi32, #tpu.memory_space<vmem>> -> memref<128xi32, #tpu.memory_space<vmem>>
    %dma_wait3A_59 = arith.constant 0 : i32
    %dma_wait3A_60 = arith.constant 0 : i32
    %dma_wait3A_61 = tpu.memref_slice %arg15[%dma_wait3A_59, %dma_wait3A_60] : memref<10240x112xf32, #tpu.memory_space<vmem_shared>> -> memref<10240x112xf32, #tpu.memory_space<vmem_shared>>
    tpu.wait_indirect_dma semaphore(%arg14 : memref<!tpu.dma_semaphore, #tpu.memory_space<semaphore_mem>>) src(%arg10 : memref<128x112xf32, #tpu.memory_space<vmem>>) dst(%dma_wait3A_61 : memref<10240x112xf32, #tpu.memory_space<vmem_shared>>)
    %barrier3A_62 = arith.constant 0 : index
    tpu.barrier barrier_id(%barrier3A_62)
    %mul3A_63 = arith.constant 640 : i32
    %mul3A_64 = arith.muli %arg1, %mul3A_63 : i32
    %mul3A_65 = arith.constant 640 : i32
    %mul3A_66 = arith.muli %arg1, %mul3A_65 : i32
    "tpu.region"() ({
      %run_scoped3A = tpu.sem_alloc : memref<!tpu.dma_semaphore, #tpu.memory_space<semaphore_mem>>
      %dma_start3A_67 = arith.constant 0 : i32
      %dma_start3A_68 = tpu.memref_slice %arg6[%arg0, %mul3A_66, %dma_start3A_67] : memref<2x10240x112xf32, #tpu.memory_space<hbm>> -> memref<1x640x112xf32, #tpu.memory_space<hbm>>
      %dma_start3A_69 = tpu.memref_squeeze %dma_start3A_68 : memref<1x640x112xf32, #tpu.memory_space<hbm>> -> memref<640x112xf32, #tpu.memory_space<hbm>>
      %dma_start3A_70 = arith.constant 0 : i32
      %dma_start3A_71 = tpu.memref_slice %arg15[%mul3A_64, %dma_start3A_70] : memref<10240x112xf32, #tpu.memory_space<vmem_shared>> -> memref<640x112xf32, #tpu.memory_space<vmem_shared>>
      tpu.enqueue_dma source(%dma_start3A_71 : memref<640x112xf32, #tpu.memory_space<vmem_shared>>) target(%dma_start3A_69 : memref<640x112xf32, #tpu.memory_space<hbm>>) target_semaphore(%run_scoped3A : memref<!tpu.dma_semaphore, #tpu.memory_space<semaphore_mem>>)
      %dma_wait3A_72 = arith.constant 0 : i32
      %dma_wait3A_73 = tpu.memref_slice %arg6[%arg0, %mul3A_66, %dma_wait3A_72] : memref<2x10240x112xf32, #tpu.memory_space<hbm>> -> memref<1x640x112xf32, #tpu.memory_space<hbm>>
      %dma_wait3A_74 = tpu.memref_squeeze %dma_wait3A_73 : memref<1x640x112xf32, #tpu.memory_space<hbm>> -> memref<640x112xf32, #tpu.memory_space<hbm>>
      %dma_wait3A_75 = arith.constant 0 : i32
      %dma_wait3A_76 = tpu.memref_slice %arg15[%mul3A_64, %dma_wait3A_75] : memref<10240x112xf32, #tpu.memory_space<vmem_shared>> -> memref<640x112xf32, #tpu.memory_space<vmem_shared>>
      tpu.wait_dma2 semaphore(%run_scoped3A : memref<!tpu.dma_semaphore, #tpu.memory_space<semaphore_mem>>) src(%dma_wait3A_76 : memref<640x112xf32, #tpu.memory_space<vmem_shared>>) dst(%dma_wait3A_74 : memref<640x112xf32, #tpu.memory_space<hbm>>)
      tpu.yield
    }) : () -> ()
    return
  }
}

#map = affine_map<(d0, d1) -> (0, 0, 0)>
#map1 = affine_map<(d0, d1) -> (0, 0)>
module attributes {stable_mosaic.version = 14 : i64} {
  func.func @_scatter_kernel(%arg0: i32, %arg1: i32, %arg2: memref<32x80x128xi32, #tpu.memory_space<hbm>>, %arg3: memref<32x80x128xi32, #tpu.memory_space<hbm>>, %arg4: memref<10240x112xf32, #tpu.memory_space<hbm>>, %arg5: memref<640x112xf32, #tpu.memory_space<hbm>>, %arg6: memref<2x10240x112xf32, #tpu.memory_space<hbm>>, %arg7: memref<80x128xi32, #tpu.memory_space<vmem>>, %arg8: memref<80x128xi32, #tpu.memory_space<vmem>>, %arg9: memref<128x112xf32, #tpu.memory_space<vmem>>, %arg10: memref<128x112xf32, #tpu.memory_space<vmem>>, %arg11: memref<!tpu.dma_semaphore, #tpu.memory_space<semaphore_mem>>, %arg12: memref<!tpu.dma_semaphore, #tpu.memory_space<semaphore_mem>>, %arg13: memref<!tpu.dma_semaphore, #tpu.memory_space<semaphore_mem>>, %arg14: memref<!tpu.dma_semaphore, #tpu.memory_space<semaphore_mem>>, %arg15: memref<10240x112xf32, #tpu.memory_space<vmem_shared>>) attributes {dimension_semantics = [#tpu.dimension_semantics<core_parallel>, #tpu.dimension_semantics<subcore_parallel>], iteration_bounds = array<i64: 2, 16>, scalar_prefetch = 0 : i64, scratch_operands = 9 : i64, tpu.core_type = #tpu.core_type<sc_vector_subcore>, window_params = [{transform_indices = #map}, {transform_indices = #map}, {transform_indices = #map1}, {transform_indices = #map1}, {transform_indices = #map}]} {
    %mul3A = arith.constant 2 : i32
    %mul3A_0 = arith.muli %arg1, %mul3A : i32
    %add3A = arith.addi %mul3A_0, %arg0 : i32
    "tpu.region"() ({
      %run_scoped3A = tpu.sem_alloc : memref<!tpu.dma_semaphore, #tpu.memory_space<semaphore_mem>>
      %dma_start3A_67 = arith.constant 0 : i32
      %dma_start3A_68 = arith.constant 0 : i32
      %dma_start3A_69 = tpu.memref_slice %arg2[%add3A, %dma_start3A_67, %dma_start3A_68] : memref<32x80x128xi32, #tpu.memory_space<hbm>> -> memref<1x80x128xi32, #tpu.memory_space<hbm>>
      %dma_start3A_70 = tpu.memref_squeeze %dma_start3A_69 : memref<1x80x128xi32, #tpu.memory_space<hbm>> -> memref<80x128xi32, #tpu.memory_space<hbm>>
      %dma_start3A_71 = arith.constant 0 : i32
      %dma_start3A_72 = arith.constant 0 : i32
      %dma_start3A_73 = tpu.memref_slice %arg2[%add3A, %dma_start3A_71, %dma_start3A_72] : memref<32x80x128xi32, #tpu.memory_space<hbm>> -> memref<1x80x128xi32, #tpu.memory_space<hbm>>
      %dma_start3A_74 = tpu.memref_squeeze %dma_start3A_73 : memref<1x80x128xi32, #tpu.memory_space<hbm>> -> memref<80x128xi32, #tpu.memory_space<hbm>>
      tpu.enqueue_dma source(%dma_start3A_74 : memref<80x128xi32, #tpu.memory_space<hbm>>) target(%arg7 : memref<80x128xi32, #tpu.memory_space<vmem>>) target_semaphore(%run_scoped3A : memref<!tpu.dma_semaphore, #tpu.memory_space<semaphore_mem>>)
      %dma_wait3A_75 = arith.constant 0 : i32
      %dma_wait3A_76 = arith.constant 0 : i32
      %dma_wait3A_77 = tpu.memref_slice %arg2[%add3A, %dma_wait3A_75, %dma_wait3A_76] : memref<32x80x128xi32, #tpu.memory_space<hbm>> -> memref<1x80x128xi32, #tpu.memory_space<hbm>>
      %dma_wait3A_78 = tpu.memref_squeeze %dma_wait3A_77 : memref<1x80x128xi32, #tpu.memory_space<hbm>> -> memref<80x128xi32, #tpu.memory_space<hbm>>
      %dma_wait3A_79 = arith.constant 0 : i32
      %dma_wait3A_80 = arith.constant 0 : i32
      %dma_wait3A_81 = tpu.memref_slice %arg2[%add3A, %dma_wait3A_79, %dma_wait3A_80] : memref<32x80x128xi32, #tpu.memory_space<hbm>> -> memref<1x80x128xi32, #tpu.memory_space<hbm>>
      %dma_wait3A_82 = tpu.memref_squeeze %dma_wait3A_81 : memref<1x80x128xi32, #tpu.memory_space<hbm>> -> memref<80x128xi32, #tpu.memory_space<hbm>>
      tpu.wait_dma2 semaphore(%run_scoped3A : memref<!tpu.dma_semaphore, #tpu.memory_space<semaphore_mem>>) src(%dma_wait3A_82 : memref<80x128xi32, #tpu.memory_space<hbm>>) dst(%arg7 : memref<80x128xi32, #tpu.memory_space<vmem>>)
      tpu.yield
    }) : () -> ()
    "tpu.region"() ({
      %run_scoped3A = tpu.sem_alloc : memref<!tpu.dma_semaphore, #tpu.memory_space<semaphore_mem>>
      %dma_start3A_67 = arith.constant 0 : i32
      %dma_start3A_68 = arith.constant 0 : i32
      %dma_start3A_69 = tpu.memref_slice %arg3[%add3A, %dma_start3A_67, %dma_start3A_68] : memref<32x80x128xi32, #tpu.memory_space<hbm>> -> memref<1x80x128xi32, #tpu.memory_space<hbm>>
      %dma_start3A_70 = tpu.memref_squeeze %dma_start3A_69 : memref<1x80x128xi32, #tpu.memory_space<hbm>> -> memref<80x128xi32, #tpu.memory_space<hbm>>
      %dma_start3A_71 = arith.constant 0 : i32
      %dma_start3A_72 = arith.constant 0 : i32
      %dma_start3A_73 = tpu.memref_slice %arg3[%add3A, %dma_start3A_71, %dma_start3A_72] : memref<32x80x128xi32, #tpu.memory_space<hbm>> -> memref<1x80x128xi32, #tpu.memory_space<hbm>>
      %dma_start3A_74 = tpu.memref_squeeze %dma_start3A_73 : memref<1x80x128xi32, #tpu.memory_space<hbm>> -> memref<80x128xi32, #tpu.memory_space<hbm>>
      tpu.enqueue_dma source(%dma_start3A_74 : memref<80x128xi32, #tpu.memory_space<hbm>>) target(%arg8 : memref<80x128xi32, #tpu.memory_space<vmem>>) target_semaphore(%run_scoped3A : memref<!tpu.dma_semaphore, #tpu.memory_space<semaphore_mem>>)
      %dma_wait3A_75 = arith.constant 0 : i32
      %dma_wait3A_76 = arith.constant 0 : i32
      %dma_wait3A_77 = tpu.memref_slice %arg3[%add3A, %dma_wait3A_75, %dma_wait3A_76] : memref<32x80x128xi32, #tpu.memory_space<hbm>> -> memref<1x80x128xi32, #tpu.memory_space<hbm>>
      %dma_wait3A_78 = tpu.memref_squeeze %dma_wait3A_77 : memref<1x80x128xi32, #tpu.memory_space<hbm>> -> memref<80x128xi32, #tpu.memory_space<hbm>>
      %dma_wait3A_79 = arith.constant 0 : i32
      %dma_wait3A_80 = arith.constant 0 : i32
      %dma_wait3A_81 = tpu.memref_slice %arg3[%add3A, %dma_wait3A_79, %dma_wait3A_80] : memref<32x80x128xi32, #tpu.memory_space<hbm>> -> memref<1x80x128xi32, #tpu.memory_space<hbm>>
      %dma_wait3A_82 = tpu.memref_squeeze %dma_wait3A_81 : memref<1x80x128xi32, #tpu.memory_space<hbm>> -> memref<80x128xi32, #tpu.memory_space<hbm>>
      tpu.wait_dma2 semaphore(%run_scoped3A : memref<!tpu.dma_semaphore, #tpu.memory_space<semaphore_mem>>) src(%dma_wait3A_82 : memref<80x128xi32, #tpu.memory_space<hbm>>) dst(%arg8 : memref<80x128xi32, #tpu.memory_space<vmem>>)
      tpu.yield
    }) : () -> ()
    %mul3A_1 = arith.constant 640 : i32
    %mul3A_2 = arith.muli %arg1, %mul3A_1 : i32
    "tpu.region"() ({
      %run_scoped3A = tpu.sem_alloc : memref<!tpu.dma_semaphore, #tpu.memory_space<semaphore_mem>>
      %dma_start3A_67 = arith.constant 0 : i32
      %dma_start3A_68 = tpu.memref_slice %arg15[%mul3A_2, %dma_start3A_67] : memref<10240x112xf32, #tpu.memory_space<vmem_shared>> -> memref<640x112xf32, #tpu.memory_space<vmem_shared>>
      tpu.enqueue_dma source(%arg5 : memref<640x112xf32, #tpu.memory_space<hbm>>) target(%dma_start3A_68 : memref<640x112xf32, #tpu.memory_space<vmem_shared>>) target_semaphore(%run_scoped3A : memref<!tpu.dma_semaphore, #tpu.memory_space<semaphore_mem>>)
      %dma_wait3A_69 = arith.constant 0 : i32
      %dma_wait3A_70 = tpu.memref_slice %arg15[%mul3A_2, %dma_wait3A_69] : memref<10240x112xf32, #tpu.memory_space<vmem_shared>> -> memref<640x112xf32, #tpu.memory_space<vmem_shared>>
      tpu.wait_dma2 semaphore(%run_scoped3A : memref<!tpu.dma_semaphore, #tpu.memory_space<semaphore_mem>>) src(%arg5 : memref<640x112xf32, #tpu.memory_space<hbm>>) dst(%dma_wait3A_70 : memref<640x112xf32, #tpu.memory_space<vmem_shared>>)
      tpu.yield
    }) : () -> ()
    %barrier3A = arith.constant 0 : index
    tpu.barrier barrier_id(%barrier3A)
    %dma_start3A = arith.constant 0 : i32
    %dma_start3A_3 = arith.constant 0 : i32
    %dma_start3A_4 = tpu.memref_slice %arg7[%dma_start3A, %dma_start3A_3] : memref<80x128xi32, #tpu.memory_space<vmem>> -> memref<1x128xi32, #tpu.memory_space<vmem>>
    %dma_start3A_5 = tpu.memref_squeeze %dma_start3A_4 : memref<1x128xi32, #tpu.memory_space<vmem>> -> memref<128xi32, #tpu.memory_space<vmem>>
    %dma_start3A_6 = arith.constant 0 : i32
    %dma_start3A_7 = arith.constant 0 : i32
    %dma_start3A_8 = tpu.memref_slice %arg4[%dma_start3A_6, %dma_start3A_7] : memref<10240x112xf32, #tpu.memory_space<hbm>> -> memref<10240x112xf32, #tpu.memory_space<hbm>>
    tpu.enqueue_indirect_dma source(%dma_start3A_8 : memref<10240x112xf32, #tpu.memory_space<hbm>>) target(%arg9 : memref<128x112xf32, #tpu.memory_space<vmem>>) offsets(%dma_start3A_5 : memref<128xi32, #tpu.memory_space<vmem>>) semaphore(%arg11 : memref<!tpu.dma_semaphore, #tpu.memory_space<semaphore_mem>>)
    %dma_start3A_9 = arith.constant 1 : i32
    %dma_start3A_10 = arith.constant 0 : i32
    %dma_start3A_11 = tpu.memref_slice %arg7[%dma_start3A_9, %dma_start3A_10] : memref<80x128xi32, #tpu.memory_space<vmem>> -> memref<1x128xi32, #tpu.memory_space<vmem>>
    %dma_start3A_12 = tpu.memref_squeeze %dma_start3A_11 : memref<1x128xi32, #tpu.memory_space<vmem>> -> memref<128xi32, #tpu.memory_space<vmem>>
    %dma_start3A_13 = arith.constant 0 : i32
    %dma_start3A_14 = arith.constant 0 : i32
    %dma_start3A_15 = tpu.memref_slice %arg4[%dma_start3A_13, %dma_start3A_14] : memref<10240x112xf32, #tpu.memory_space<hbm>> -> memref<10240x112xf32, #tpu.memory_space<hbm>>
    tpu.enqueue_indirect_dma source(%dma_start3A_15 : memref<10240x112xf32, #tpu.memory_space<hbm>>) target(%arg10 : memref<128x112xf32, #tpu.memory_space<vmem>>) offsets(%dma_start3A_12 : memref<128xi32, #tpu.memory_space<vmem>>) semaphore(%arg12 : memref<!tpu.dma_semaphore, #tpu.memory_space<semaphore_mem>>)
    %scan3A = arith.constant 0 : i32
    %scan3A_16 = arith.constant 0 : i32
    %scan3A_17 = arith.constant 39 : i32
    %scan3A_18 = arith.addi %scan3A_16, %scan3A_17 : i32
    %scan3A_19 = arith.constant 1 : i32
    scf.for %scan3A_67 = %scan3A_16 to %scan3A_18 step %scan3A_19  : i32 {
      %mul3A_68 = arith.constant 2 : i32
      %mul3A_69 = arith.muli %scan3A_67, %mul3A_68 : i32
      %add3A_70 = arith.constant 0 : i32
      %add3A_71 = arith.addi %mul3A_69, %add3A_70 : i32
      %dma_wait3A_72 = arith.constant 0 : i32
      %dma_wait3A_73 = tpu.memref_slice %arg7[%add3A_71, %dma_wait3A_72] : memref<80x128xi32, #tpu.memory_space<vmem>> -> memref<1x128xi32, #tpu.memory_space<vmem>>
      %dma_wait3A_74 = tpu.memref_squeeze %dma_wait3A_73 : memref<1x128xi32, #tpu.memory_space<vmem>> -> memref<128xi32, #tpu.memory_space<vmem>>
      %dma_wait3A_75 = arith.constant 0 : i32
      %dma_wait3A_76 = arith.constant 0 : i32
      %dma_wait3A_77 = tpu.memref_slice %arg4[%dma_wait3A_75, %dma_wait3A_76] : memref<10240x112xf32, #tpu.memory_space<hbm>> -> memref<10240x112xf32, #tpu.memory_space<hbm>>
      tpu.wait_indirect_dma semaphore(%arg11 : memref<!tpu.dma_semaphore, #tpu.memory_space<semaphore_mem>>) src(%dma_wait3A_77 : memref<10240x112xf32, #tpu.memory_space<hbm>>) dst(%arg9 : memref<128x112xf32, #tpu.memory_space<vmem>>)
      %add3A_78 = arith.constant 0 : i32
      %add3A_79 = arith.addi %mul3A_69, %add3A_78 : i32
      %dma_start3A_80 = arith.constant 0 : i32
      %dma_start3A_81 = tpu.memref_slice %arg8[%add3A_79, %dma_start3A_80] : memref<80x128xi32, #tpu.memory_space<vmem>> -> memref<1x128xi32, #tpu.memory_space<vmem>>
      %dma_start3A_82 = tpu.memref_squeeze %dma_start3A_81 : memref<1x128xi32, #tpu.memory_space<vmem>> -> memref<128xi32, #tpu.memory_space<vmem>>
      %dma_start3A_83 = arith.constant 0 : i32
      %dma_start3A_84 = arith.constant 0 : i32
      %dma_start3A_85 = tpu.memref_slice %arg15[%dma_start3A_83, %dma_start3A_84] : memref<10240x112xf32, #tpu.memory_space<vmem_shared>> -> memref<10240x112xf32, #tpu.memory_space<vmem_shared>>
      tpu.enqueue_indirect_dma source(%arg9 : memref<128x112xf32, #tpu.memory_space<vmem>>) target(%dma_start3A_85 : memref<10240x112xf32, #tpu.memory_space<vmem_shared>>) offsets(%dma_start3A_82 : memref<128xi32, #tpu.memory_space<vmem>>) semaphore(%arg13 : memref<!tpu.dma_semaphore, #tpu.memory_space<semaphore_mem>>) {add = true}
      %add3A_86 = arith.constant 1 : i32
      %add3A_87 = arith.addi %mul3A_69, %add3A_86 : i32
      %dma_wait3A_88 = arith.constant 0 : i32
      %dma_wait3A_89 = tpu.memref_slice %arg7[%add3A_87, %dma_wait3A_88] : memref<80x128xi32, #tpu.memory_space<vmem>> -> memref<1x128xi32, #tpu.memory_space<vmem>>
      %dma_wait3A_90 = tpu.memref_squeeze %dma_wait3A_89 : memref<1x128xi32, #tpu.memory_space<vmem>> -> memref<128xi32, #tpu.memory_space<vmem>>
      %dma_wait3A_91 = arith.constant 0 : i32
      %dma_wait3A_92 = arith.constant 0 : i32
      %dma_wait3A_93 = tpu.memref_slice %arg4[%dma_wait3A_91, %dma_wait3A_92] : memref<10240x112xf32, #tpu.memory_space<hbm>> -> memref<10240x112xf32, #tpu.memory_space<hbm>>
      tpu.wait_indirect_dma semaphore(%arg12 : memref<!tpu.dma_semaphore, #tpu.memory_space<semaphore_mem>>) src(%dma_wait3A_93 : memref<10240x112xf32, #tpu.memory_space<hbm>>) dst(%arg10 : memref<128x112xf32, #tpu.memory_space<vmem>>)
      %add3A_94 = arith.constant 1 : i32
      %add3A_95 = arith.addi %mul3A_69, %add3A_94 : i32
      %dma_start3A_96 = arith.constant 0 : i32
      %dma_start3A_97 = tpu.memref_slice %arg8[%add3A_95, %dma_start3A_96] : memref<80x128xi32, #tpu.memory_space<vmem>> -> memref<1x128xi32, #tpu.memory_space<vmem>>
      %dma_start3A_98 = tpu.memref_squeeze %dma_start3A_97 : memref<1x128xi32, #tpu.memory_space<vmem>> -> memref<128xi32, #tpu.memory_space<vmem>>
      %dma_start3A_99 = arith.constant 0 : i32
      %dma_start3A_100 = arith.constant 0 : i32
      %dma_start3A_101 = tpu.memref_slice %arg15[%dma_start3A_99, %dma_start3A_100] : memref<10240x112xf32, #tpu.memory_space<vmem_shared>> -> memref<10240x112xf32, #tpu.memory_space<vmem_shared>>
      tpu.enqueue_indirect_dma source(%arg10 : memref<128x112xf32, #tpu.memory_space<vmem>>) target(%dma_start3A_101 : memref<10240x112xf32, #tpu.memory_space<vmem_shared>>) offsets(%dma_start3A_98 : memref<128xi32, #tpu.memory_space<vmem>>) semaphore(%arg14 : memref<!tpu.dma_semaphore, #tpu.memory_space<semaphore_mem>>) {add = true}
      %add3A_102 = arith.constant 0 : i32
      %add3A_103 = arith.addi %mul3A_69, %add3A_102 : i32
      %dma_wait3A_104 = arith.constant 0 : i32
      %dma_wait3A_105 = tpu.memref_slice %arg8[%add3A_103, %dma_wait3A_104] : memref<80x128xi32, #tpu.memory_space<vmem>> -> memref<1x128xi32, #tpu.memory_space<vmem>>
      %dma_wait3A_106 = tpu.memref_squeeze %dma_wait3A_105 : memref<1x128xi32, #tpu.memory_space<vmem>> -> memref<128xi32, #tpu.memory_space<vmem>>
      %dma_wait3A_107 = arith.constant 0 : i32
      %dma_wait3A_108 = arith.constant 0 : i32
      %dma_wait3A_109 = tpu.memref_slice %arg15[%dma_wait3A_107, %dma_wait3A_108] : memref<10240x112xf32, #tpu.memory_space<vmem_shared>> -> memref<10240x112xf32, #tpu.memory_space<vmem_shared>>
      tpu.wait_indirect_dma semaphore(%arg13 : memref<!tpu.dma_semaphore, #tpu.memory_space<semaphore_mem>>) src(%arg9 : memref<128x112xf32, #tpu.memory_space<vmem>>) dst(%dma_wait3A_109 : memref<10240x112xf32, #tpu.memory_space<vmem_shared>>)
      %add3A_110 = arith.constant 0 : i32
      %add3A_111 = arith.addi %mul3A_69, %add3A_110 : i32
      %add3A_112 = arith.constant 2 : i32
      %add3A_113 = arith.addi %add3A_111, %add3A_112 : i32
      %dma_start3A_114 = arith.constant 0 : i32
      %dma_start3A_115 = tpu.memref_slice %arg7[%add3A_113, %dma_start3A_114] : memref<80x128xi32, #tpu.memory_space<vmem>> -> memref<1x128xi32, #tpu.memory_space<vmem>>
      %dma_start3A_116 = tpu.memref_squeeze %dma_start3A_115 : memref<1x128xi32, #tpu.memory_space<vmem>> -> memref<128xi32, #tpu.memory_space<vmem>>
      %dma_start3A_117 = arith.constant 0 : i32
      %dma_start3A_118 = arith.constant 0 : i32
      %dma_start3A_119 = tpu.memref_slice %arg4[%dma_start3A_117, %dma_start3A_118] : memref<10240x112xf32, #tpu.memory_space<hbm>> -> memref<10240x112xf32, #tpu.memory_space<hbm>>
      tpu.enqueue_indirect_dma source(%dma_start3A_119 : memref<10240x112xf32, #tpu.memory_space<hbm>>) target(%arg9 : memref<128x112xf32, #tpu.memory_space<vmem>>) offsets(%dma_start3A_116 : memref<128xi32, #tpu.memory_space<vmem>>) semaphore(%arg11 : memref<!tpu.dma_semaphore, #tpu.memory_space<semaphore_mem>>)
      %add3A_120 = arith.constant 1 : i32
      %add3A_121 = arith.addi %mul3A_69, %add3A_120 : i32
      %dma_wait3A_122 = arith.constant 0 : i32
      %dma_wait3A_123 = tpu.memref_slice %arg8[%add3A_121, %dma_wait3A_122] : memref<80x128xi32, #tpu.memory_space<vmem>> -> memref<1x128xi32, #tpu.memory_space<vmem>>
      %dma_wait3A_124 = tpu.memref_squeeze %dma_wait3A_123 : memref<1x128xi32, #tpu.memory_space<vmem>> -> memref<128xi32, #tpu.memory_space<vmem>>
      %dma_wait3A_125 = arith.constant 0 : i32
      %dma_wait3A_126 = arith.constant 0 : i32
      %dma_wait3A_127 = tpu.memref_slice %arg15[%dma_wait3A_125, %dma_wait3A_126] : memref<10240x112xf32, #tpu.memory_space<vmem_shared>> -> memref<10240x112xf32, #tpu.memory_space<vmem_shared>>
      tpu.wait_indirect_dma semaphore(%arg14 : memref<!tpu.dma_semaphore, #tpu.memory_space<semaphore_mem>>) src(%arg10 : memref<128x112xf32, #tpu.memory_space<vmem>>) dst(%dma_wait3A_127 : memref<10240x112xf32, #tpu.memory_space<vmem_shared>>)
      %add3A_128 = arith.constant 1 : i32
      %add3A_129 = arith.addi %mul3A_69, %add3A_128 : i32
      %add3A_130 = arith.constant 2 : i32
      %add3A_131 = arith.addi %add3A_129, %add3A_130 : i32
      %dma_start3A_132 = arith.constant 0 : i32
      %dma_start3A_133 = tpu.memref_slice %arg7[%add3A_131, %dma_start3A_132] : memref<80x128xi32, #tpu.memory_space<vmem>> -> memref<1x128xi32, #tpu.memory_space<vmem>>
      %dma_start3A_134 = tpu.memref_squeeze %dma_start3A_133 : memref<1x128xi32, #tpu.memory_space<vmem>> -> memref<128xi32, #tpu.memory_space<vmem>>
      %dma_start3A_135 = arith.constant 0 : i32
      %dma_start3A_136 = arith.constant 0 : i32
      %dma_start3A_137 = tpu.memref_slice %arg4[%dma_start3A_135, %dma_start3A_136] : memref<10240x112xf32, #tpu.memory_space<hbm>> -> memref<10240x112xf32, #tpu.memory_space<hbm>>
      tpu.enqueue_indirect_dma source(%dma_start3A_137 : memref<10240x112xf32, #tpu.memory_space<hbm>>) target(%arg10 : memref<128x112xf32, #tpu.memory_space<vmem>>) offsets(%dma_start3A_134 : memref<128xi32, #tpu.memory_space<vmem>>) semaphore(%arg12 : memref<!tpu.dma_semaphore, #tpu.memory_space<semaphore_mem>>)
    }
    %scan3A_20 = arith.constant 39 : i32
    %dma_wait3A = arith.constant 78 : i32
    %dma_wait3A_21 = arith.constant 0 : i32
    %dma_wait3A_22 = tpu.memref_slice %arg7[%dma_wait3A, %dma_wait3A_21] : memref<80x128xi32, #tpu.memory_space<vmem>> -> memref<1x128xi32, #tpu.memory_space<vmem>>
    %dma_wait3A_23 = tpu.memref_squeeze %dma_wait3A_22 : memref<1x128xi32, #tpu.memory_space<vmem>> -> memref<128xi32, #tpu.memory_space<vmem>>
    %dma_wait3A_24 = arith.constant 0 : i32
    %dma_wait3A_25 = arith.constant 0 : i32
    %dma_wait3A_26 = tpu.memref_slice %arg4[%dma_wait3A_24, %dma_wait3A_25] : memref<10240x112xf32, #tpu.memory_space<hbm>> -> memref<10240x112xf32, #tpu.memory_space<hbm>>
    tpu.wait_indirect_dma semaphore(%arg11 : memref<!tpu.dma_semaphore, #tpu.memory_space<semaphore_mem>>) src(%dma_wait3A_26 : memref<10240x112xf32, #tpu.memory_space<hbm>>) dst(%arg9 : memref<128x112xf32, #tpu.memory_space<vmem>>)
    %dma_start3A_27 = arith.constant 78 : i32
    %dma_start3A_28 = arith.constant 0 : i32
    %dma_start3A_29 = tpu.memref_slice %arg8[%dma_start3A_27, %dma_start3A_28] : memref<80x128xi32, #tpu.memory_space<vmem>> -> memref<1x128xi32, #tpu.memory_space<vmem>>
    %dma_start3A_30 = tpu.memref_squeeze %dma_start3A_29 : memref<1x128xi32, #tpu.memory_space<vmem>> -> memref<128xi32, #tpu.memory_space<vmem>>
    %dma_start3A_31 = arith.constant 0 : i32
    %dma_start3A_32 = arith.constant 0 : i32
    %dma_start3A_33 = tpu.memref_slice %arg15[%dma_start3A_31, %dma_start3A_32] : memref<10240x112xf32, #tpu.memory_space<vmem_shared>> -> memref<10240x112xf32, #tpu.memory_space<vmem_shared>>
    tpu.enqueue_indirect_dma source(%arg9 : memref<128x112xf32, #tpu.memory_space<vmem>>) target(%dma_start3A_33 : memref<10240x112xf32, #tpu.memory_space<vmem_shared>>) offsets(%dma_start3A_30 : memref<128xi32, #tpu.memory_space<vmem>>) semaphore(%arg13 : memref<!tpu.dma_semaphore, #tpu.memory_space<semaphore_mem>>) {add = true}
    %dma_wait3A_34 = arith.constant 79 : i32
    %dma_wait3A_35 = arith.constant 0 : i32
    %dma_wait3A_36 = tpu.memref_slice %arg7[%dma_wait3A_34, %dma_wait3A_35] : memref<80x128xi32, #tpu.memory_space<vmem>> -> memref<1x128xi32, #tpu.memory_space<vmem>>
    %dma_wait3A_37 = tpu.memref_squeeze %dma_wait3A_36 : memref<1x128xi32, #tpu.memory_space<vmem>> -> memref<128xi32, #tpu.memory_space<vmem>>
    %dma_wait3A_38 = arith.constant 0 : i32
    %dma_wait3A_39 = arith.constant 0 : i32
    %dma_wait3A_40 = tpu.memref_slice %arg4[%dma_wait3A_38, %dma_wait3A_39] : memref<10240x112xf32, #tpu.memory_space<hbm>> -> memref<10240x112xf32, #tpu.memory_space<hbm>>
    tpu.wait_indirect_dma semaphore(%arg12 : memref<!tpu.dma_semaphore, #tpu.memory_space<semaphore_mem>>) src(%dma_wait3A_40 : memref<10240x112xf32, #tpu.memory_space<hbm>>) dst(%arg10 : memref<128x112xf32, #tpu.memory_space<vmem>>)
    %dma_start3A_41 = arith.constant 79 : i32
    %dma_start3A_42 = arith.constant 0 : i32
    %dma_start3A_43 = tpu.memref_slice %arg8[%dma_start3A_41, %dma_start3A_42] : memref<80x128xi32, #tpu.memory_space<vmem>> -> memref<1x128xi32, #tpu.memory_space<vmem>>
    %dma_start3A_44 = tpu.memref_squeeze %dma_start3A_43 : memref<1x128xi32, #tpu.memory_space<vmem>> -> memref<128xi32, #tpu.memory_space<vmem>>
    %dma_start3A_45 = arith.constant 0 : i32
    %dma_start3A_46 = arith.constant 0 : i32
    %dma_start3A_47 = tpu.memref_slice %arg15[%dma_start3A_45, %dma_start3A_46] : memref<10240x112xf32, #tpu.memory_space<vmem_shared>> -> memref<10240x112xf32, #tpu.memory_space<vmem_shared>>
    tpu.enqueue_indirect_dma source(%arg10 : memref<128x112xf32, #tpu.memory_space<vmem>>) target(%dma_start3A_47 : memref<10240x112xf32, #tpu.memory_space<vmem_shared>>) offsets(%dma_start3A_44 : memref<128xi32, #tpu.memory_space<vmem>>) semaphore(%arg14 : memref<!tpu.dma_semaphore, #tpu.memory_space<semaphore_mem>>) {add = true}
    %dma_wait3A_48 = arith.constant 78 : i32
    %dma_wait3A_49 = arith.constant 0 : i32
    %dma_wait3A_50 = tpu.memref_slice %arg8[%dma_wait3A_48, %dma_wait3A_49] : memref<80x128xi32, #tpu.memory_space<vmem>> -> memref<1x128xi32, #tpu.memory_space<vmem>>
    %dma_wait3A_51 = tpu.memref_squeeze %dma_wait3A_50 : memref<1x128xi32, #tpu.memory_space<vmem>> -> memref<128xi32, #tpu.memory_space<vmem>>
    %dma_wait3A_52 = arith.constant 0 : i32
    %dma_wait3A_53 = arith.constant 0 : i32
    %dma_wait3A_54 = tpu.memref_slice %arg15[%dma_wait3A_52, %dma_wait3A_53] : memref<10240x112xf32, #tpu.memory_space<vmem_shared>> -> memref<10240x112xf32, #tpu.memory_space<vmem_shared>>
    tpu.wait_indirect_dma semaphore(%arg13 : memref<!tpu.dma_semaphore, #tpu.memory_space<semaphore_mem>>) src(%arg9 : memref<128x112xf32, #tpu.memory_space<vmem>>) dst(%dma_wait3A_54 : memref<10240x112xf32, #tpu.memory_space<vmem_shared>>)
    %dma_wait3A_55 = arith.constant 79 : i32
    %dma_wait3A_56 = arith.constant 0 : i32
    %dma_wait3A_57 = tpu.memref_slice %arg8[%dma_wait3A_55, %dma_wait3A_56] : memref<80x128xi32, #tpu.memory_space<vmem>> -> memref<1x128xi32, #tpu.memory_space<vmem>>
    %dma_wait3A_58 = tpu.memref_squeeze %dma_wait3A_57 : memref<1x128xi32, #tpu.memory_space<vmem>> -> memref<128xi32, #tpu.memory_space<vmem>>
    %dma_wait3A_59 = arith.constant 0 : i32
    %dma_wait3A_60 = arith.constant 0 : i32
    %dma_wait3A_61 = tpu.memref_slice %arg15[%dma_wait3A_59, %dma_wait3A_60] : memref<10240x112xf32, #tpu.memory_space<vmem_shared>> -> memref<10240x112xf32, #tpu.memory_space<vmem_shared>>
    tpu.wait_indirect_dma semaphore(%arg14 : memref<!tpu.dma_semaphore, #tpu.memory_space<semaphore_mem>>) src(%arg10 : memref<128x112xf32, #tpu.memory_space<vmem>>) dst(%dma_wait3A_61 : memref<10240x112xf32, #tpu.memory_space<vmem_shared>>)
    %barrier3A_62 = arith.constant 0 : index
    tpu.barrier barrier_id(%barrier3A_62)
    %mul3A_63 = arith.constant 640 : i32
    %mul3A_64 = arith.muli %arg1, %mul3A_63 : i32
    %mul3A_65 = arith.constant 640 : i32
    %mul3A_66 = arith.muli %arg1, %mul3A_65 : i32
    "tpu.region"() ({
      %run_scoped3A = tpu.sem_alloc : memref<!tpu.dma_semaphore, #tpu.memory_space<semaphore_mem>>
      %dma_start3A_67 = arith.constant 0 : i32
      %dma_start3A_68 = tpu.memref_slice %arg6[%arg0, %mul3A_66, %dma_start3A_67] : memref<2x10240x112xf32, #tpu.memory_space<hbm>> -> memref<1x640x112xf32, #tpu.memory_space<hbm>>
      %dma_start3A_69 = tpu.memref_squeeze %dma_start3A_68 : memref<1x640x112xf32, #tpu.memory_space<hbm>> -> memref<640x112xf32, #tpu.memory_space<hbm>>
      %dma_start3A_70 = arith.constant 0 : i32
      %dma_start3A_71 = tpu.memref_slice %arg15[%mul3A_64, %dma_start3A_70] : memref<10240x112xf32, #tpu.memory_space<vmem_shared>> -> memref<640x112xf32, #tpu.memory_space<vmem_shared>>
      tpu.enqueue_dma source(%dma_start3A_71 : memref<640x112xf32, #tpu.memory_space<vmem_shared>>) target(%dma_start3A_69 : memref<640x112xf32, #tpu.memory_space<hbm>>) target_semaphore(%run_scoped3A : memref<!tpu.dma_semaphore, #tpu.memory_space<semaphore_mem>>)
      %dma_wait3A_72 = arith.constant 0 : i32
      %dma_wait3A_73 = tpu.memref_slice %arg6[%arg0, %mul3A_66, %dma_wait3A_72] : memref<2x10240x112xf32, #tpu.memory_space<hbm>> -> memref<1x640x112xf32, #tpu.memory_space<hbm>>
      %dma_wait3A_74 = tpu.memref_squeeze %dma_wait3A_73 : memref<1x640x112xf32, #tpu.memory_space<hbm>> -> memref<640x112xf32, #tpu.memory_space<hbm>>
      %dma_wait3A_75 = arith.constant 0 : i32
      %dma_wait3A_76 = tpu.memref_slice %arg15[%mul3A_64, %dma_wait3A_75] : memref<10240x112xf32, #tpu.memory_space<vmem_shared>> -> memref<640x112xf32, #tpu.memory_space<vmem_shared>>
      tpu.wait_dma2 semaphore(%run_scoped3A : memref<!tpu.dma_semaphore, #tpu.memory_space<semaphore_mem>>) src(%dma_wait3A_76 : memref<640x112xf32, #tpu.memory_space<vmem_shared>>) dst(%dma_wait3A_74 : memref<640x112xf32, #tpu.memory_space<hbm>>)
      tpu.yield
    }) : () -> ()
    return
  }
}

module attributes {stable_mosaic.version = 14 : i64} {
  func.func @_tc_a_body(%arg0: i32, %arg1: memref<2000x128xf32, #tpu.memory_space<vmem>>, %arg2: memref<128x112xf32, #tpu.memory_space<vmem>>, %arg3: memref<2000x16xf32, #tpu.memory_space<vmem>>, %arg4: memref<2000x16xf32, #tpu.memory_space<vmem>>, %arg5: memref<2000x112xf32, #tpu.memory_space<vmem>>, %arg6: memref<2000x112xf32, #tpu.memory_space<vmem>>) attributes {dimension_semantics = [#tpu.dimension_semantics<arbitrary>], iteration_bounds = array<i64: 5>, scalar_prefetch = 0 : i64, scratch_operands = 0 : i64, tpu.core_type = #tpu.core_type<tc>, window_params = [{transform_indices = @transform_0, window_bounds = array<i64: 2000, 128>}, {pipeline_mode = #tpu.pipeline_mode<synchronous>, transform_indices = @transform_1, window_bounds = array<i64: 128, 112>}, {transform_indices = @transform_2, window_bounds = array<i64: 2000, 16>}, {transform_indices = @transform_3, window_bounds = array<i64: 2000, 16>}, {transform_indices = @transform_4, window_bounds = array<i64: 2000, 112>}, {transform_indices = @transform_5, window_bounds = array<i64: 2000, 112>}]} {
    %get3A = arith.constant 0 : index
    %get3A_0 = arith.constant 0 : index
    %get3A_1 = vector.load %arg3[%get3A, %get3A_0] : memref<2000x16xf32, #tpu.memory_space<vmem>>, vector<2000x1xf32>
    %get3A_2 = arith.constant 0 : index
    %get3A_3 = arith.constant 0 : index
    %get3A_4 = vector.load %arg4[%get3A_2, %get3A_3] : memref<2000x16xf32, #tpu.memory_space<vmem>>, vector<2000x1xf32>
    %add3A = arith.addf %get3A_1, %get3A_4 : vector<2000x1xf32>
    %add3A_5 = arith.constant 1.000000e+00 : f32
    %add3A_6 = vector.broadcast %add3A_5 : f32 to vector<2000x1xf32>
    %add3A_7 = arith.addf %add3A, %add3A_6 : vector<2000x1xf32>
    %rsqrt3A = math.rsqrt %add3A_7 : vector<2000x1xf32>
    %get3A_8 = arith.constant 0 : index
    %get3A_9 = arith.constant 0 : index
    %get3A_10 = vector.load %arg1[%get3A_8, %get3A_9] : memref<2000x128xf32, #tpu.memory_space<vmem>>, vector<2000x128xf32>
    %get3A_11 = arith.constant 0 : index
    %get3A_12 = arith.constant 0 : index
    %get3A_13 = vector.load %arg2[%get3A_11, %get3A_12] : memref<128x112xf32, #tpu.memory_space<vmem>>, vector<128x112xf32>
    %dot_general3A = arith.constant dense<0.000000e+00> : vector<2000x112xf32>
    %dot_general3A_14 = tpu.matmul %get3A_10, %get3A_13, %dot_general3A {dimension_numbers = #tpu.dot_dimension_numbers<[1], [0], [0], [1], [0, 0, 1, 1], [], []>, transpose_lhs_hint = false} : vector<2000x128xf32>, vector<128x112xf32>, vector<2000x112xf32> -> vector<2000x112xf32>
    %mul3A = vector.broadcast %rsqrt3A : vector<2000x1xf32> to vector<2000x112xf32>
    %mul3A_15 = arith.mulf %dot_general3A_14, %mul3A : vector<2000x112xf32>
    %swap3A = arith.constant 0 : index
    %swap3A_16 = arith.constant 0 : index
    %swap3A_17 = vector.load %arg5[%swap3A, %swap3A_16] : memref<2000x112xf32, #tpu.memory_space<vmem>>, vector<2000x112xf32>
    tpu.vector_store %arg5[%swap3A, %swap3A_16], %mul3A_15 {strides = array<i32>} : memref<2000x112xf32, #tpu.memory_space<vmem>>, vector<2000x112xf32>,
    %broadcast_in_dim3A = vector.shape_cast %rsqrt3A : vector<2000x1xf32> to vector<2000x1xf32>
    %broadcast_in_dim3A_18 = vector.broadcast %broadcast_in_dim3A : vector<2000x1xf32> to vector<2000x112xf32>
    %swap3A_19 = arith.constant 0 : index
    %swap3A_20 = arith.constant 0 : index
    %swap3A_21 = vector.load %arg6[%swap3A_19, %swap3A_20] : memref<2000x112xf32, #tpu.memory_space<vmem>>, vector<2000x112xf32>
    tpu.vector_store %arg6[%swap3A_19, %swap3A_20], %broadcast_in_dim3A_18 {strides = array<i32>} : memref<2000x112xf32, #tpu.memory_space<vmem>>, vector<2000x112xf32>,
    return
  }
  func.func @transform_0(%arg0: i32) -> (i32, i32) {
    %c0_i32 = arith.constant 0 : i32
    %c0_i32_0 = arith.constant 0 : i32
    return %arg0, %c0_i32 : i32, i32
  }
  func.func @transform_1(%arg0: i32) -> (i32, i32) {
    %c0_i32 = arith.constant 0 : i32
    %c0_i32_0 = arith.constant 0 : i32
    %c0_i32_1 = arith.constant 0 : i32
    return %c0_i32, %c0_i32_0 : i32, i32
  }
  func.func @transform_2(%arg0: i32) -> (i32, i32) {
    %c0_i32 = arith.constant 0 : i32
    %c0_i32_0 = arith.constant 0 : i32
    return %arg0, %c0_i32 : i32, i32
  }
  func.func @transform_3(%arg0: i32) -> (i32, i32) {
    %c0_i32 = arith.constant 0 : i32
    %c0_i32_0 = arith.constant 0 : i32
    return %arg0, %c0_i32 : i32, i32
  }
  func.func @transform_4(%arg0: i32) -> (i32, i32) {
    %c0_i32 = arith.constant 0 : i32
    %c0_i32_0 = arith.constant 0 : i32
    return %arg0, %c0_i32 : i32, i32
  }
  func.func @transform_5(%arg0: i32) -> (i32, i32) {
    %c0_i32 = arith.constant 0 : i32
    %c0_i32_0 = arith.constant 0 : i32
    return %arg0, %c0_i32 : i32, i32
  }
}

module attributes {stable_mosaic.version = 14 : i64} {
  func.func @_tc_b_body(%arg0: i32, %arg1: memref<2000x112xf32, #tpu.memory_space<vmem>>, %arg2: memref<2000x112xf32, #tpu.memory_space<vmem>>, %arg3: memref<2000x112xf32, #tpu.memory_space<vmem>>, %arg4: memref<2000x112xf32, #tpu.memory_space<vmem>>, %arg5: memref<1x112xf32, #tpu.memory_space<vmem>>, %arg6: memref<112x112xf32, #tpu.memory_space<vmem>>, %arg7: memref<2000x112xf32, #tpu.memory_space<vmem>>) attributes {dimension_semantics = [#tpu.dimension_semantics<arbitrary>], iteration_bounds = array<i64: 5>, scalar_prefetch = 0 : i64, scratch_operands = 0 : i64, tpu.core_type = #tpu.core_type<tc>, window_params = [{transform_indices = @transform_0, window_bounds = array<i64: 2000, 112>}, {transform_indices = @transform_1, window_bounds = array<i64: 2000, 112>}, {transform_indices = @transform_2, window_bounds = array<i64: 2000, 112>}, {transform_indices = @transform_3, window_bounds = array<i64: 2000, 112>}, {pipeline_mode = #tpu.pipeline_mode<synchronous>, transform_indices = @transform_4, window_bounds = array<i64: 1, 112>}, {pipeline_mode = #tpu.pipeline_mode<synchronous>, transform_indices = @transform_5, window_bounds = array<i64: 112, 112>}, {transform_indices = @transform_6, window_bounds = array<i64: 2000, 112>}]} {
    %get3A = arith.constant 0 : index
    %get3A_0 = arith.constant 0 : index
    %get3A_1 = vector.load %arg4[%get3A, %get3A_0] : memref<2000x112xf32, #tpu.memory_space<vmem>>, vector<2000x112xf32>
    %get3A_2 = arith.constant 0 : index
    %get3A_3 = arith.constant 0 : index
    %get3A_4 = vector.load %arg1[%get3A_2, %get3A_3] : memref<2000x112xf32, #tpu.memory_space<vmem>>, vector<2000x112xf32>
    %get3A_5 = arith.constant 0 : index
    %get3A_6 = arith.constant 0 : index
    %get3A_7 = vector.load %arg2[%get3A_5, %get3A_6] : memref<2000x112xf32, #tpu.memory_space<vmem>>, vector<2000x112xf32>
    %add3A = arith.addf %get3A_4, %get3A_7 : vector<2000x112xf32>
    %get3A_8 = arith.constant 0 : index
    %get3A_9 = arith.constant 0 : index
    %get3A_10 = vector.load %arg3[%get3A_8, %get3A_9] : memref<2000x112xf32, #tpu.memory_space<vmem>>, vector<2000x112xf32>
    %add3A_11 = arith.addf %add3A, %get3A_10 : vector<2000x112xf32>
    %mul3A = arith.mulf %add3A_11, %get3A_1 : vector<2000x112xf32>
    %get3A_12 = arith.constant 0 : index
    %get3A_13 = arith.constant 0 : index
    %get3A_14 = vector.load %arg5[%get3A_12, %get3A_13] : memref<1x112xf32, #tpu.memory_space<vmem>>, vector<1x112xf32>
    %add3A_15 = vector.broadcast %get3A_14 : vector<1x112xf32> to vector<2000x112xf32>
    %add3A_16 = arith.addf %mul3A, %add3A_15 : vector<2000x112xf32>
    %max3A = arith.constant 0.000000e+00 : f32
    %max3A_17 = vector.broadcast %max3A : f32 to vector<2000x112xf32>
    %max3A_18 = arith.maximumf %add3A_16, %max3A_17 : vector<2000x112xf32>
    %get3A_19 = arith.constant 0 : index
    %get3A_20 = arith.constant 0 : index
    %get3A_21 = vector.load %arg6[%get3A_19, %get3A_20] : memref<112x112xf32, #tpu.memory_space<vmem>>, vector<112x112xf32>
    %dot_general3A = arith.constant dense<0.000000e+00> : vector<2000x112xf32>
    %dot_general3A_22 = tpu.matmul %max3A_18, %get3A_21, %dot_general3A {dimension_numbers = #tpu.dot_dimension_numbers<[1], [0], [0], [1], [0, 0, 1, 1], [], []>, transpose_lhs_hint = false} : vector<2000x112xf32>, vector<112x112xf32>, vector<2000x112xf32> -> vector<2000x112xf32>
    %mul3A_23 = arith.mulf %dot_general3A_22, %get3A_1 : vector<2000x112xf32>
    %swap3A = arith.constant 0 : index
    %swap3A_24 = arith.constant 0 : index
    %swap3A_25 = vector.load %arg7[%swap3A, %swap3A_24] : memref<2000x112xf32, #tpu.memory_space<vmem>>, vector<2000x112xf32>
    tpu.vector_store %arg7[%swap3A, %swap3A_24], %mul3A_23 {strides = array<i32>} : memref<2000x112xf32, #tpu.memory_space<vmem>>, vector<2000x112xf32>,
    return
  }
  func.func @transform_0(%arg0: i32) -> (i32, i32) {
    %c0_i32 = arith.constant 0 : i32
    %c0_i32_0 = arith.constant 0 : i32
    return %arg0, %c0_i32 : i32, i32
  }
  func.func @transform_1(%arg0: i32) -> (i32, i32) {
    %c0_i32 = arith.constant 0 : i32
    %c0_i32_0 = arith.constant 0 : i32
    return %arg0, %c0_i32 : i32, i32
  }
  func.func @transform_2(%arg0: i32) -> (i32, i32) {
    %c0_i32 = arith.constant 0 : i32
    %c0_i32_0 = arith.constant 0 : i32
    return %arg0, %c0_i32 : i32, i32
  }
  func.func @transform_3(%arg0: i32) -> (i32, i32) {
    %c0_i32 = arith.constant 0 : i32
    %c0_i32_0 = arith.constant 0 : i32
    return %arg0, %c0_i32 : i32, i32
  }
  func.func @transform_4(%arg0: i32) -> (i32, i32) {
    %c0_i32 = arith.constant 0 : i32
    %c0_i32_0 = arith.constant 0 : i32
    %c0_i32_1 = arith.constant 0 : i32
    return %c0_i32, %c0_i32_0 : i32, i32
  }
  func.func @transform_5(%arg0: i32) -> (i32, i32) {
    %c0_i32 = arith.constant 0 : i32
    %c0_i32_0 = arith.constant 0 : i32
    %c0_i32_1 = arith.constant 0 : i32
    return %c0_i32, %c0_i32_0 : i32, i32
  }
  func.func @transform_6(%arg0: i32) -> (i32, i32) {
    %c0_i32 = arith.constant 0 : i32
    %c0_i32_0 = arith.constant 0 : i32
    return %arg0, %c0_i32 : i32, i32
  }
}

module attributes {stable_mosaic.version = 14 : i64} {
  func.func @_tc_c_body(%arg0: i32, %arg1: memref<2000x112xf32, #tpu.memory_space<vmem>>, %arg2: memref<2000x112xf32, #tpu.memory_space<vmem>>, %arg3: memref<2000x112xf32, #tpu.memory_space<vmem>>, %arg4: memref<2000x112xf32, #tpu.memory_space<vmem>>, %arg5: memref<1x112xf32, #tpu.memory_space<vmem>>, %arg6: memref<2000x1xi32, #tpu.memory_space<vmem>>, %arg7: memref<112x128xf32, #tpu.memory_space<vmem>>, %arg8: memref<1x128xf32, #tpu.memory_space<vmem>>, %arg9: memref<128x128xf32, #tpu.memory_space<vmem>>, %arg10: memref<128x112xf32, #tpu.memory_space<vmem>>, %arg11: memref<128x112xf32, #tpu.memory_space<vmem>>) attributes {dimension_semantics = [#tpu.dimension_semantics<arbitrary>], iteration_bounds = array<i64: 5>, scalar_prefetch = 0 : i64, scratch_operands = 2 : i64, tpu.core_type = #tpu.core_type<tc>, window_params = [{transform_indices = @transform_0, window_bounds = array<i64: 2000, 112>}, {transform_indices = @transform_1, window_bounds = array<i64: 2000, 112>}, {transform_indices = @transform_2, window_bounds = array<i64: 2000, 112>}, {transform_indices = @transform_3, window_bounds = array<i64: 2000, 112>}, {pipeline_mode = #tpu.pipeline_mode<synchronous>, transform_indices = @transform_4, window_bounds = array<i64: 1, 112>}, {transform_indices = @transform_5, window_bounds = array<i64: 2000, 1>}, {pipeline_mode = #tpu.pipeline_mode<synchronous>, transform_indices = @transform_6, window_bounds = array<i64: 112, 128>}, {pipeline_mode = #tpu.pipeline_mode<synchronous>, transform_indices = @transform_7, window_bounds = array<i64: 1, 128>}, {pipeline_mode = #tpu.pipeline_mode<synchronous>, transform_indices = @transform_8, window_bounds = array<i64: 128, 128>}]} {
    %eq3A = arith.constant 0 : i32
    %eq3A_0 = arith.cmpi eq, %arg0, %eq3A : i32
    %convert_element_type3A = arith.extui %eq3A_0 : i1 to i32
    %cond3A = arith.constant 0 : i32
    %cond3A_1 = arith.cmpi ne, %convert_element_type3A, %cond3A : i32
    scf.if %cond3A_1 {
      %broadcast_in_dim3A_50 = arith.constant 0.000000e+00 : f32
      %broadcast_in_dim3A_51 = vector.broadcast %broadcast_in_dim3A_50 : f32 to vector<128x112xf32>
      %swap3A_52 = arith.constant 0 : index
      %swap3A_53 = arith.constant 0 : index
      %swap3A_54 = vector.load %arg10[%swap3A_52, %swap3A_53] : memref<128x112xf32, #tpu.memory_space<vmem>>, vector<128x112xf32>
      tpu.vector_store %arg10[%swap3A_52, %swap3A_53], %broadcast_in_dim3A_51 {strides = array<i32>} : memref<128x112xf32, #tpu.memory_space<vmem>>, vector<128x112xf32>,
      %broadcast_in_dim3A_55 = arith.constant 0.000000e+00 : f32
      %broadcast_in_dim3A_56 = vector.broadcast %broadcast_in_dim3A_55 : f32 to vector<128x112xf32>
      %swap3A_57 = arith.constant 0 : index
      %swap3A_58 = arith.constant 0 : index
      %swap3A_59 = vector.load %arg11[%swap3A_57, %swap3A_58] : memref<128x112xf32, #tpu.memory_space<vmem>>, vector<128x112xf32>
      tpu.vector_store %arg11[%swap3A_57, %swap3A_58], %broadcast_in_dim3A_56 {strides = array<i32>} : memref<128x112xf32, #tpu.memory_space<vmem>>, vector<128x112xf32>,
    } else {
    }
    %get3A = arith.constant 0 : index
    %get3A_2 = arith.constant 0 : index
    %get3A_3 = vector.load %arg1[%get3A, %get3A_2] : memref<2000x112xf32, #tpu.memory_space<vmem>>, vector<2000x112xf32>
    %get3A_4 = arith.constant 0 : index
    %get3A_5 = arith.constant 0 : index
    %get3A_6 = vector.load %arg2[%get3A_4, %get3A_5] : memref<2000x112xf32, #tpu.memory_space<vmem>>, vector<2000x112xf32>
    %add3A = arith.addf %get3A_3, %get3A_6 : vector<2000x112xf32>
    %get3A_7 = arith.constant 0 : index
    %get3A_8 = arith.constant 0 : index
    %get3A_9 = vector.load %arg3[%get3A_7, %get3A_8] : memref<2000x112xf32, #tpu.memory_space<vmem>>, vector<2000x112xf32>
    %add3A_10 = arith.addf %add3A, %get3A_9 : vector<2000x112xf32>
    %get3A_11 = arith.constant 0 : index
    %get3A_12 = arith.constant 0 : index
    %get3A_13 = vector.load %arg4[%get3A_11, %get3A_12] : memref<2000x112xf32, #tpu.memory_space<vmem>>, vector<2000x112xf32>
    %mul3A = arith.mulf %add3A_10, %get3A_13 : vector<2000x112xf32>
    %get3A_14 = arith.constant 0 : index
    %get3A_15 = arith.constant 0 : index
    %get3A_16 = vector.load %arg5[%get3A_14, %get3A_15] : memref<1x112xf32, #tpu.memory_space<vmem>>, vector<1x112xf32>
    %add3A_17 = vector.broadcast %get3A_16 : vector<1x112xf32> to vector<2000x112xf32>
    %add3A_18 = arith.addf %mul3A, %add3A_17 : vector<2000x112xf32>
    %max3A = arith.constant 0.000000e+00 : f32
    %max3A_19 = vector.broadcast %max3A : f32 to vector<2000x112xf32>
    %max3A_20 = arith.maximumf %add3A_18, %max3A_19 : vector<2000x112xf32>
    %iota3A = tpu.iota {dimensions = array<i32: 1>} : vector<2000x128xi32>
    %get3A_21 = arith.constant 0 : index
    %get3A_22 = arith.constant 0 : index
    %get3A_23 = vector.load %arg6[%get3A_21, %get3A_22] : memref<2000x1xi32, #tpu.memory_space<vmem>>, vector<2000x1xi32>
    %eq3A_24 = vector.broadcast %get3A_23 : vector<2000x1xi32> to vector<2000x128xi32>
    %eq3A_25 = arith.cmpi eq, %eq3A_24, %iota3A : vector<2000x128xi32>
    %convert_element_type3A_26 = arith.extui %eq3A_25 : vector<2000x128xi1> to vector<2000x128xi32>
    %convert_element_type3A_27 = arith.sitofp %convert_element_type3A_26 : vector<2000x128xi32> to vector<2000x128xf32>
    %get3A_28 = arith.constant 0 : index
    %get3A_29 = arith.constant 0 : index
    %get3A_30 = vector.load %arg10[%get3A_28, %get3A_29] : memref<128x112xf32, #tpu.memory_space<vmem>>, vector<128x112xf32>
    %dot_general3A = arith.constant dense<0.000000e+00> : vector<128x112xf32>
    %dot_general3A_31 = tpu.matmul %convert_element_type3A_27, %max3A_20, %dot_general3A {dimension_numbers = #tpu.dot_dimension_numbers<[0], [0], [1], [1], [0, 1, 1, 1], [], []>, transpose_lhs_hint = false} : vector<2000x128xf32>, vector<2000x112xf32>, vector<128x112xf32> -> vector<128x112xf32>
    %add3A_32 = arith.addf %get3A_30, %dot_general3A_31 : vector<128x112xf32>
    %swap3A = arith.constant 0 : index
    %swap3A_33 = arith.constant 0 : index
    %swap3A_34 = vector.load %arg10[%swap3A, %swap3A_33] : memref<128x112xf32, #tpu.memory_space<vmem>>, vector<128x112xf32>
    tpu.vector_store %arg10[%swap3A, %swap3A_33], %add3A_32 {strides = array<i32>} : memref<128x112xf32, #tpu.memory_space<vmem>>, vector<128x112xf32>,
    %get3A_35 = arith.constant 0 : index
    %get3A_36 = arith.constant 0 : index
    %get3A_37 = vector.load %arg11[%get3A_35, %get3A_36] : memref<128x112xf32, #tpu.memory_space<vmem>>, vector<128x112xf32>
    %broadcast_in_dim3A = arith.constant 1.000000e+00 : f32
    %broadcast_in_dim3A_38 = vector.broadcast %broadcast_in_dim3A : f32 to vector<2000x112xf32>
    %dot_general3A_39 = arith.constant dense<0.000000e+00> : vector<128x112xf32>
    %dot_general3A_40 = tpu.matmul %convert_element_type3A_27, %broadcast_in_dim3A_38, %dot_general3A_39 {dimension_numbers = #tpu.dot_dimension_numbers<[0], [0], [1], [1], [0, 1, 1, 1], [], []>, transpose_lhs_hint = false} : vector<2000x128xf32>, vector<2000x112xf32>, vector<128x112xf32> -> vector<128x112xf32>
    %add3A_41 = arith.addf %get3A_37, %dot_general3A_40 : vector<128x112xf32>
    %swap3A_42 = arith.constant 0 : index
    %swap3A_43 = arith.constant 0 : index
    %swap3A_44 = vector.load %arg11[%swap3A_42, %swap3A_43] : memref<128x112xf32, #tpu.memory_space<vmem>>, vector<128x112xf32>
    tpu.vector_store %arg11[%swap3A_42, %swap3A_43], %add3A_41 {strides = array<i32>} : memref<128x112xf32, #tpu.memory_space<vmem>>, vector<128x112xf32>,
    %eq3A_45 = arith.constant 4 : i32
    %eq3A_46 = arith.cmpi eq, %arg0, %eq3A_45 : i32
    %convert_element_type3A_47 = arith.extui %eq3A_46 : i1 to i32
    %cond3A_48 = arith.constant 0 : i32
    %cond3A_49 = arith.cmpi ne, %convert_element_type3A_47, %cond3A_48 : i32
    scf.if %cond3A_49 {
      %get3A_50 = arith.constant 0 : index
      %get3A_51 = arith.constant 0 : index
      %get3A_52 = vector.load %arg10[%get3A_50, %get3A_51] : memref<128x112xf32, #tpu.memory_space<vmem>>, vector<128x112xf32>
      %get3A_53 = arith.constant 0 : index
      %get3A_54 = arith.constant 0 : index
      %get3A_55 = vector.load %arg11[%get3A_53, %get3A_54] : memref<128x112xf32, #tpu.memory_space<vmem>>, vector<128x112xf32>
      %max3A_56 = arith.constant 1.000000e+00 : f32
      %max3A_57 = vector.broadcast %max3A_56 : f32 to vector<128x112xf32>
      %max3A_58 = arith.maximumf %get3A_55, %max3A_57 : vector<128x112xf32>
      %div3A = arith.divf %get3A_52, %max3A_58 : vector<128x112xf32>
      %get3A_59 = arith.constant 0 : index
      %get3A_60 = arith.constant 0 : index
      %get3A_61 = vector.load %arg7[%get3A_59, %get3A_60] : memref<112x128xf32, #tpu.memory_space<vmem>>, vector<112x128xf32>
      %dot_general3A_62 = arith.constant dense<0.000000e+00> : vector<128x128xf32>
      %dot_general3A_63 = tpu.matmul %div3A, %get3A_61, %dot_general3A_62 {dimension_numbers = #tpu.dot_dimension_numbers<[1], [0], [0], [1], [0, 0, 1, 1], [], []>, transpose_lhs_hint = false} : vector<128x112xf32>, vector<112x128xf32>, vector<128x128xf32> -> vector<128x128xf32>
      %get3A_64 = arith.constant 0 : index
      %get3A_65 = arith.constant 0 : index
      %get3A_66 = vector.load %arg8[%get3A_64, %get3A_65] : memref<1x128xf32, #tpu.memory_space<vmem>>, vector<1x128xf32>
      %add3A_67 = vector.broadcast %get3A_66 : vector<1x128xf32> to vector<128x128xf32>
      %add3A_68 = arith.addf %dot_general3A_63, %add3A_67 : vector<128x128xf32>
      %swap3A_69 = arith.constant 0 : index
      %swap3A_70 = arith.constant 0 : index
      %swap3A_71 = vector.load %arg9[%swap3A_69, %swap3A_70] : memref<128x128xf32, #tpu.memory_space<vmem>>, vector<128x128xf32>
      tpu.vector_store %arg9[%swap3A_69, %swap3A_70], %add3A_68 {strides = array<i32>} : memref<128x128xf32, #tpu.memory_space<vmem>>, vector<128x128xf32>,
    } else {
    }
    return
  }
  func.func @transform_0(%arg0: i32) -> (i32, i32) {
    %c0_i32 = arith.constant 0 : i32
    %c0_i32_0 = arith.constant 0 : i32
    return %arg0, %c0_i32 : i32, i32
  }
  func.func @transform_1(%arg0: i32) -> (i32, i32) {
    %c0_i32 = arith.constant 0 : i32
    %c0_i32_0 = arith.constant 0 : i32
    return %arg0, %c0_i32 : i32, i32
  }
  func.func @transform_2(%arg0: i32) -> (i32, i32) {
    %c0_i32 = arith.constant 0 : i32
    %c0_i32_0 = arith.constant 0 : i32
    return %arg0, %c0_i32 : i32, i32
  }
  func.func @transform_3(%arg0: i32) -> (i32, i32) {
    %c0_i32 = arith.constant 0 : i32
    %c0_i32_0 = arith.constant 0 : i32
    return %arg0, %c0_i32 : i32, i32
  }
  func.func @transform_4(%arg0: i32) -> (i32, i32) {
    %c0_i32 = arith.constant 0 : i32
    %c0_i32_0 = arith.constant 0 : i32
    %c0_i32_1 = arith.constant 0 : i32
    return %c0_i32, %c0_i32_0 : i32, i32
  }
  func.func @transform_5(%arg0: i32) -> (i32, i32) {
    %c0_i32 = arith.constant 0 : i32
    %c0_i32_0 = arith.constant 0 : i32
    return %arg0, %c0_i32 : i32, i32
  }
  func.func @transform_6(%arg0: i32) -> (i32, i32) {
    %c0_i32 = arith.constant 0 : i32
    %c0_i32_0 = arith.constant 0 : i32
    %c0_i32_1 = arith.constant 0 : i32
    return %c0_i32, %c0_i32_0 : i32, i32
  }
  func.func @transform_7(%arg0: i32) -> (i32, i32) {
    %c0_i32 = arith.constant 0 : i32
    %c0_i32_0 = arith.constant 0 : i32
    %c0_i32_1 = arith.constant 0 : i32
    return %c0_i32, %c0_i32_0 : i32, i32
  }
  func.func @transform_8(%arg0: i32) -> (i32, i32) {
    %c0_i32 = arith.constant 0 : i32
    %c0_i32_0 = arith.constant 0 : i32
    %c0_i32_1 = arith.constant 0 : i32
    return %c0_i32, %c0_i32_0 : i32, i32
  }
}

</mosaic_0001>

<sc_bundles>
// kernel: kernel.11.cloned.1.call-start
scs
__scs_entry_jumppad:
0x0: {  	(pc) =	sbr.rel $0x88, $3  }
0x1: {  	(tag) =	ssettag $0x0;
	lr =	simm.s32 $0x1  }
0x2: {  	[smem:$0x3F98] =	sst lr;
	_ =	strace $0xD0000000  }
0x3: {  	_ = 	snop  }
0x4: {  	_ = 	snop  }
0x5: {  	_ = 	snop  }
0x6: {  	_ = 	snop  }
0x7: {  	_ = 	snop  }
__scs_overlays_trampoline_lowered:
0x8: {  	[smem:$0x3FA7] =	sst s0  }
0x9: {  	[smem:$0x3FA8] =	sst s1  }
0xa: {  	[smem:$0x3FA9] =	sst s2  }
0xb: {  	[smem:$0x3FAA] =	sst s3  }
0xc: {  	[smem:$0x3FAB] =	sst s4  }
0xd: {  	[smem:$0x3FAC] =	sst s5  }
0xe: {  	[smem:$0x3FAD] =	sst s6  }
0xf: {  	[smem:$0x3FAE] =	sst s7  }
0x10: {  	[smem:$0x3FAF] =	sst s8  }
0x11: {  	[smem:$0x3FB0] =	sst s9;
	s0 =	simm.s32 @!p0 $0x0  }
0x12: {  	s1 =	sld [smem:$0x3F96];
	s0 =	simm.s32 @p0 $0x1  }
0x13: {  	[smem:$0x3FB1] =	sst s0;
	s0 =	simm.s32 @!p1 $0x0  }
0x14: {  	s2 =	sld [smem:$0x3F95];
	s0 =	simm.s32 @p1 $0x1  }
0x15: {  	[smem:$0x3FB2] =	sst s0;
	s0 =	simm.s32 @!p2 $0x0  }
0x16: {  	s3 =	sld [smem:$0x3FDB];
	s0 =	simm.s32 @p2 $0x1  }
0x17: {  	s4 =	simm.s32 $0x1BF5;
	[smem:$0x3FB4] =	sst s0  }
0x18: {  	s0 =	sld [smem:$0x3F97];
	_ =	swait.ge [sflag:s4], $0x0  }
0x19: {  	s7 =	sld [smem:$0x3F98]  }
0x1a: {  	s8 =	sadd.s32 $0xFFFFE003, lr  }
0x1b: {  	s9 =	sadd.s32 $0xFFFFFEF7, lr;
	s5 =	simm.s32 $0xFFFFFFFF;
	p2 =	slt.u32 s8, $0xFFFFF086  }
0x1c: {  	p1 =	slt.u32 s9, $0xF7A;
	s5 =	simm.s32 @!p2 $0x0  }
0x1d: {  	s5 =	simm.s32 @p1 $0x1;
	p0 =	seq.s32 s7, s2  }
0x1e: {  	s7 =	smul.u32 @!p0 $0xF7A, s2;
	p2 =	seq.s32 @!p0 s5, $0x0  }
0x1f: {  	s9 =	smul.u32 $0xF7A, s1;
	s8 =	simm.s32 @!p0 $0x1BF5;
	p2 =	por !p2, p0  }
0x20: {  	[sflag:s8] =	ssyncset.s32 @!p0 $0xFFFFF086;
	s6 =	sadd.s32 @!p0 s3, s7;
	s7 =	simm.s32 @!p0 $0x108  }
0x21: {  	s3 =	sadd.s32 s3, s9;
	s6 =	sadd.s32 @!p0 $0x88, s6;
	s7 =	simm.s32 @p2 $0x1082  }
0x22: {  	[simem:s7], [sflag:s8] =	dma.local @!p0 [hbm:s6], $0xF7A  }
0x23: {  	s9 =	sor.u32 $0xD0000000, s2;
	s6 =	simm.s32 $0x108;
	_ =	swait.ge @!p0 [sflag:s8], $0x0  }
0x24: {  	s3 =	sadd.s32 $0x88, s3;
	s6 =	simm.s32 @!p1 $0x1082;
	[sflag:s4] =	ssyncset.s32 $0xFFFFF086  }
0x25: {  	[simem:s6], [sflag:s4] =	dma.local [hbm:s3], $0xF7A  }
0x26: {  	[smem:$0x3F98] =	sst s1;
	(tag) =	ssettag s2;
	_ =	strace s9  }
0x27: {  	s1 =	sld [smem:$0x3FA8]  }
0x28: {  	s2 =	sld [smem:$0x3FA9]  }
0x29: {  	s4 =	sld [smem:$0x3FAB]  }
0x2a: {  	p0 =	seq.s32 s5, $0x0;
	s5 =	sld [smem:$0x3FAC]  }
0x2b: {  	s6 =	sld [smem:$0x3FAD]  }
0x2c: {  	s7 =	sld [smem:$0x3FAE]  }
0x2d: {  	s3 =	simm.s32 $0x108;
	s8 =	sld [smem:$0x3FAF]  }
0x2e: {  	s3 =	simm.s32 @!p0 $0x1082;
	s9 =	sld [smem:$0x3FB0]  }
0x2f: {  	lr =	sadd.s32 s0, s3;
	s0 =	sld [smem:$0x3FA7]  }
0x30: {  	s3 =	sld [smem:$0x3FAA]  }
0x31: {  	[smem:$0x3FB3] =	sst s10  }
0x32: {  	s10 =	sld [smem:$0x3FB1];
	_ =	sdelay $0x3  }
0x33: {  	p0 =	seq.s32 s10, $0x1;
	s10 =	sld [smem:$0x3FB3];
	_ =	sdelay $0x3  }
0x34: {  	[smem:$0x3FB3] =	sst s10  }
0x35: {  	s10 =	sld [smem:$0x3FB2];
	_ =	sdelay $0x3  }
0x36: {  	p1 =	seq.s32 s10, $0x1;
	s10 =	sld [smem:$0x3FB3];
	_ =	sdelay $0x3  }
0x37: {  	[smem:$0x3FB3] =	sst s10  }
0x38: {  	s10 =	sld [smem:$0x3FB4]  }
0x39: {  	_ = 	snop;
	(pc) =	sbr.ind lr, $3  }
0x3a: {  	_ = 	snop  }
0x3b: {  	_ = 	snop  }
0x3c: {  	p2 =	seq.s32 s10, $0x1;
	s10 =	sld [smem:$0x3FB3]  }
0x3d: {  	_ =	shalt  }
0x3e: {  	_ =	shalt  }
0x3f: {  	_ =	shalt  }
0x40: {  	_ =	shalt  }
0x41: {  	_ =	shalt  }
0x42: {  	_ =	shalt  }
0x43: {  	_ =	shalt  }
0x44: {  	_ =	shalt  }
0x45: {  	_ =	shalt  }
0x46: {  	_ =	shalt  }
0x47: {  	_ =	shalt  }
0x48: {  	_ =	shalt  }
0x49: {  	_ =	shalt  }
0x4a: {  	_ =	shalt  }
0x4b: {  	_ =	shalt  }
0x4c: {  	_ =	shalt  }
0x4d: {  	_ =	shalt  }
0x4e: {  	_ =	shalt  }
0x4f: {  	_ =	shalt  }
0x50: {  	_ =	shalt  }
0x51: {  	_ =	shalt  }
0x52: {  	_ =	shalt  }
0x53: {  	_ =	shalt  }
0x54: {  	_ =	shalt  }
0x55: {  	_ =	shalt  }
0x56: {  	_ =	shalt  }
0x57: {  	_ =	shalt  }
0x58: {  	_ =	shalt  }
0x59: {  	_ =	shalt  }
0x5a: {  	_ =	shalt  }
0x5b: {  	_ =	shalt  }
0x5c: {  	_ =	shalt  }
0x5d: {  	_ =	shalt  }
0x5e: {  	_ =	shalt  }
0x5f: {  	_ =	shalt  }
0x60: {  	_ =	shalt  }
0x61: {  	_ =	shalt  }
0x62: {  	_ =	shalt  }
0x63: {  	_ =	shalt  }
0x64: {  	_ =	shalt  }
0x65: {  	_ =	shalt  }
0x66: {  	_ =	shalt  }
0x67: {  	_ =	shalt  }
0x68: {  	_ =	shalt  }
0x69: {  	_ =	shalt  }
0x6a: {  	_ =	shalt  }
0x6b: {  	_ =	shalt  }
0x6c: {  	_ =	shalt  }
0x6d: {  	_ =	shalt  }
0x6e: {  	_ =	shalt  }
0x6f: {  	_ =	shalt  }
0x70: {  	_ =	shalt  }
0x71: {  	_ =	shalt  }
0x72: {  	_ =	shalt  }
0x73: {  	_ =	shalt  }
0x74: {  	_ =	shalt  }
0x75: {  	_ =	shalt  }
0x76: {  	_ =	shalt  }
0x77: {  	_ =	shalt  }
0x78: {  	_ =	shalt  }
0x79: {  	_ =	shalt  }
0x7a: {  	_ =	shalt  }
0x7b: {  	_ =	shalt  }
0x7c: {  	_ =	shalt  }
0x7d: {  	_ =	shalt  }
0x7e: {  	_ =	shalt  }
0x7f: {  	_ =	shalt  }
0x80: {  	_ =	shalt  }
0x81: {  	_ =	shalt  }
0x82: {  	_ =	shalt  }
0x83: {  	_ =	shalt  }
0x84: {  	_ =	shalt  }
0x85: {  	_ =	shalt  }
0x86: {  	_ =	shalt  }
0x87: {  	_ =	shalt  }
.Lfunc_end0:
.L_simem_size_0:
called_computation.1_lowered:
.L_overlay_start_0:
0x88: {  	s2 =	sld [smem:$0x3FD9]  }
0x89: {  	s3 =	sld [smem:$0x3FFE];
	_ =	sdelay $0x1  }
0x8a: {  	s1 =	srdreg.scid  }
0x8b: {  	s0 =	sand.u32 $0x1, s1  }
0x8c: {  	s16 =	sshll.u32 s0, $0xA;
	s2 =	sadd.s32 s3, s2  }
0x8d: {  	s2 =	sadd.s32 s2, s16  }
0x8e: {  	[smem:$0x3FBF] =	sst s2  }
0x8f: {  	_ = 	snop  }
0x90: {  	(tm) =	ssettm $0x1  }
0x91: {  	s17 =	sld [smem:$0x3FFB];
	_ =	sdelay $0x3  }
0x92: {  	_ =	strace s17  }
0x93: {  	s2 =	sld [smem:$0x3FFC];
	_ =	sdelay $0x3  }
0x94: {  	_ =	strace s2  }
0x95: {  	s2 =	sld [smem:$0x3FFD];
	_ =	sdelay $0x3  }
0x96: {  	_ =	strace s2  }
0x97: {  	_ =	strace $0x8FFFFFFF  }
0x98: {  	s18 =	sld [smem:$0x3FDB];
	_ =	sdelay $0x1  }
0x99: {  	s19 =	simm.s32 $_scs_section_size  }
0x9a: {  	s4 =	simm.s32 $_size__tile_overlayer_lowered;
	s5 =	simm.s32 $_tile_overlayer_lowered  }
0x9b: {  	s22 =	simm.s32 $0x1BFF;
	s21 =	sshll.u32 s5, $0x1;
	s2 =	sadd.s32 s19, s18  }
0x9c: {  	s6 =	simm.s32 $0x0;
	s20 =	sshll.u32 s4, $0x1;
	s4 =	sadd.s32 s21, s2  }
0x9d: {  	[timem:s6], [sflag:s22] =	dma.local [hbm:s4], s20  }
0x9e: {  	_ =	swait.ge [sflag:s22], s20  }
0x9f: {  	s3 =	ssub.s32 $0x0, s20;
	[sflag:s22] =	ssyncset.done $0x0  }
0xa0: {  	[sflag:s22] =	ssyncadd.s32 s3;
	_ =	sdelay $0x1  }
0xa1: {  	s23 =	simm.s32 $0x1B8B  }
0xa2: {  	_ =	swait.ge [sflag:s23], $0x1  }
0xa3: {  	[sflag:s23] =	ssyncset.done $0x0  }
0xa4: {  	s25 =	simm.s32 $0x1B8E;
	s24 =	sld [smem:$0x3FFE];
	[sflag:s23] =	ssyncadd.s32 $0xFFFFFFFF  }
0xa5: {  	s26 =	simm.s32 $execute0_lowered;
	[smem:$0x3FD2] =	sst s25  }
0xa6: {  	s4 =	sshll.u32 s26, $0x1;
	_ =	strace $0x80000049;
	[dreg:$0x1] =	wrdreg $0xFFFFFFFF  }
0xa7: {  	s28 =	simm.s32 $_size_execute0_lowered;
	s2 =	sadd.s32 s2, s4;
	[dreg:$0x0] =	wrdreg $0x0  }
0xa8: {  	s4 =	sshll.u32 s28, $0x1;
	[dreg:$0x2] =	wrdreg s2  }
0xa9: {  	[dreg:$0x3] =	wrdreg s4  }
0xaa: {  	[dreg:$0x4] =	wrdreg $0xC0  }
0xab: {  	_ =	task [dreg:s6], $0x5FFFF  }
0xac: {  	[dreg:$0x1] =	wrdreg $0xFFFFFFFF  }
0xad: {  	[dreg:$0x0] =	wrdreg $0x60  }
0xae: {  	[dreg:$0x2] =	wrdreg s24  }
0xaf: {  	[dreg:$0x3] =	wrdreg $0xC0000  }
0xb0: {  	[dreg:$0x4] =	wrdreg $0x9  }
0xb1: {  	_ =	task.clear_ibuf [dreg:s6], $0x5FFFF;
	_ =	strace $0x90000049  }
0xb2: {  	s29 =	simm.s32 $0x9;
	_ =	strace $0x8000004B  }
0xb3: {  	_ =	swait.ge [sflag:s29], $0x1  }
0xb4: {  	[sflag:s29] =	ssyncadd.s32 $0xFFFFFFFF  }
0xb5: {  	_ =	strace $0x9000004B  }
0xb6: {  	_ =	sfence  }
0xb7: {  	s30 =	sld [smem:$0x0];
	_ =	sdelay $0x2  }
0xb8: {  	s31 =	sshll.u32 s1, $0xD;
	s1 =	sshrl.u32 s1, $0x2  }
0xb9: {  	s3 =	sand.u32 $0x4000, s31;
	s1 =	sadd.s32 s1, s30  }
0xba: {  	s0 =	sor.u32 s3, s0;
	s1 =	sshll.u32 s1, $0x11  }
0xbb: {  	s0 =	sor.u32 s1, s0  }
0xbc: {  	s0 =	sadd.s32 $0x8F2B, s0  }
0xbd: {  	[sflag:s0] =	ssyncadd.remote.s32 $0x1  }
0xbe: {  	_ =	sfence.sel $0xFFFF  }
0xbf: {  	[dreg:$0x0] =	wrdreg $0xFFFFFFFF;
	(pc) =	sbr.abs _section_cstart, $3  }
0xc0: {  	[dreg:$0x1] =	wrdreg $0xFFFFFFFF  }
0xc1: {  	_ =	task.clear_ibuf [dreg:s6], $0x2FFFF;
	_ =	strace $0x9FFFFFFF  }
0xc2: {  	(tm) =	ssettm $0x7FFFFFFF  }
0xc3: {  	_ =	shalt  }
tec
execute0_lowered:
.L_overlay_start_1:
0x0: {  	(tag) =	ssettag $0x1  }
0x1: {  	s1 =	srdreg.scid;
	s6 =	rddreg [dreg:$0x0]  }
0x2: {  	s0 =	stileid.u32;
	s2 =	rddreg [dreg:$0x1]  }
0x3: {  	s3 =	simm.s32 $0x0;
	s14 =	simm.s32 $0x80;
	s15 =	simm.s32 $0x5000  }
0x4: {  	s16 =	simm.s32 $0x8800;
	s17 =	simm.s32 $0x1;
	s18 =	simm.s32 $0x2  }
0x5: {  	s19 =	simm.s32 $0x3;
	s20 =	simm.s32 $0x4;
	s21 =	simm.s32 $0x4F00  }
0x6: {  	s22 =	simm.s32 $0x4F80;
	s23 =	simm.s32 $0x0;
	s5 =	sand.u32 $0x1, s1  }
0x7: {  	s30 =	sshll.u32 s0, $0x1;
	s8 =	smul.u32 $0x11800, s0;
	[smem:$0x7FF] =	sst s3  }
0x8: {  	s12 =	sshll.u32 s0, $0x6;
	s1 =	sor.u32 s5, s30;
	s7 =	smul.u32 $0x118000, s5  }
0x9: {  	s10 =	ssub.s32 $0x2, s5;
	s5 =	sadd.s32 $0xCC00, s6;
	s12 =	sor.u32 $0x1C05, s12  }
0xa: {  	s4 =	smul.u32 $0x500, s1;
	s1 =	rddreg [dreg:$0x2];
	_ =	strace $0x8000004A  }
0xb: {  	s31 =	sshrl.u32 s10, $0x1;
	s13 =	sadd.s32 s8, s2;
	s7 =	sadd.s32 s8, s7  }
0xc: {  	s10 =	ssub.s32 s10, s31;
	s13 =	sshrl.u32 s13, $0x3;
	s7 =	sshrl.u32 s7, $0x3  }
0xd: {  	s9 =	sadd.s32 s4, s6;
	s4 =	sadd.s32 $0x48600, s6;
	s11 =	sadd.s32 s7, s6  }
0xe: {  	s6 =	sadd.s32 $0x17400, s9;
	s7 =	sadd.s32 $0x2C00, s9;
	s9 =	smax.u32 s10, $0x1  }
0xf: {  	s10 =	simm.s32 $0x5;
	s8 =	sadd.s32 $0x6B600, s11;
	s11 =	simm.s32 $0x2800  }
.LBB2_1:
0x10: {  	[tilespmem:s3], [sflag:$0x5] =	stream.linear.gather [hbm4b:s6+s3], $0x2800, $0x38;
	[tilespmem:$0x1D800] =	vst v63  }
0x11: {  	_ =	swait.ge [sflag:s10], $0x2800  }
0x12: {  	[sflag:s10] =	ssyncset.done $0x0  }
0x13: {  	[sflag:s10] =	ssyncadd.s32 $0xFFFFD800  }
0x14: {  	[tilespmem:s11], [sflag:$0x5] =	stream.linear.gather [hbm4b:s7+s3], $0x2800, $0x38;
	[tilespmem:$0x1D800] =	vst v63  }
0x15: {  	_ =	swait.ge [sflag:s10], $0x2800  }
0x16: {  	[sflag:s10] =	ssyncset.done $0x0  }
0x17: {  	[sflag:s10] =	ssyncadd.s32 $0xFFFFD800  }
0x18: {  	[spmem:s13], [sflag:s12] =	dma.local [hbm:s5], $0x2300  }
0x19: {  	_ =	swait.ge [sflag:s10], $0x2300  }
0x1a: {  	[sflag:s10] =	ssyncset.done $0x0  }
0x1b: {  	[sflag:s10] =	ssyncadd.s32 $0xFFFFDD00  }
0x1c: {  	[bflag:$0x0] =	sbarrier.arrive $0xFFFF  }
0x1d: {  	[tilespmem:s15], [sflag:$0x1] =	stream.indirect.gather [hbm4b:s4+s14], $0x70, s3, s14, $0xb8;
	[tilespmem:$0x1D800] =	vst v63  }
0x1e: {  	_ = 	snop  }
0x1f: {  	[tilespmem:s16], [sflag:$0x2] =	stream.indirect.gather [hbm4b:s4+s14], $0x70, s14, s14, $0xb8;
	[tilespmem:$0x1D800] =	vst v63  }
0x20: {  	_ =	swait.ge [sflag:s17], $0x3800  }
0x21: {  	[sflag:s17] =	ssyncset.done $0x0  }
0x22: {  	s24 =	simm.s32 $0x2800;
	[sflag:s17] =	ssyncadd.s32 $0xFFFFC800  }
0x23: {  	[spmem:s2] =	stream.indirect.scatter.add.f32 [tilespmem:s15], [sflag:$0x3], $0x70, s24, s14, $0xb8;
	[tilespmem:$0x1D800] =	vst v63  }
0x24: {  	_ =	swait.ge [sflag:s18], $0x3800  }
0x25: {  	[sflag:s18] =	ssyncset.done $0x0  }
0x26: {  	s30 =	simm.s32 $0x2880;
	[sflag:s18] =	ssyncadd.s32 $0xFFFFC800  }
0x27: {  	[spmem:s2] =	stream.indirect.scatter.add.f32 [tilespmem:s16], [sflag:$0x4], $0x70, s30, s14, $0xb8;
	[tilespmem:$0x1D800] =	vst v63  }
0x28: {  	_ =	swait.ge [sflag:s19], $0x3800  }
0x29: {  	[sflag:s19] =	ssyncset.done $0x0  }
0x2a: {  	s31 =	simm.s32 $0x100;
	[sflag:s19] =	ssyncadd.s32 $0xFFFFC800  }
0x2b: {  	[tilespmem:s15], [sflag:$0x1] =	stream.indirect.gather [hbm4b:s4+s14], $0x70, s31, s14, $0xb8;
	[tilespmem:$0x1D800] =	vst v63  }
0x2c: {  	_ =	swait.ge [sflag:s20], $0x3800  }
0x2d: {  	[sflag:s20] =	ssyncset.done $0x0  }
0x2e: {  	s25 =	simm.s32 $0x180;
	s24 =	simm.s32 $0x400;
	[sflag:s20] =	ssyncadd.s32 $0xFFFFC800  }
.LBB2_2:
0x2f: {  	[tilespmem:s16], [sflag:$0x2] =	stream.indirect.gather [hbm4b:s4+s14], $0x70, s25, s14, $0xb8;
	[tilespmem:$0x1D800] =	vst v63  }
0x30: {  	s25 =	smov.u32 s24  }
0x31: {  	p0 =	sne.s32 s24, $0x9800;
	s24 =	sadd.s32 $0x400, s24;
	_ =	swait.ge [sflag:s17], $0x3800  }
0x32: {  	s25 =	sshra.s32 s25, $0x2;
	[sflag:s17] =	ssyncset.done $0x0  }
0x33: {  	s26 =	sadd.s32 $0x2800, s25;
	[sflag:s17] =	ssyncadd.s32 $0xFFFFC800  }
0x34: {  	[spmem:s2] =	stream.indirect.scatter.add.f32 [tilespmem:s15], [sflag:$0x3], $0x70, s26, s14, $0xb8;
	[tilespmem:$0x1D800] =	vst v63  }
0x35: {  	_ =	swait.ge [sflag:s18], $0x3800  }
0x36: {  	[sflag:s18] =	ssyncset.done $0x0  }
0x37: {  	s26 =	sadd.s32 $0x2880, s25;
	[sflag:s18] =	ssyncadd.s32 $0xFFFFC800  }
0x38: {  	[spmem:s2] =	stream.indirect.scatter.add.f32 [tilespmem:s16], [sflag:$0x4], $0x70, s26, s14, $0xb8;
	[tilespmem:$0x1D800] =	vst v63  }
0x39: {  	_ =	swait.ge [sflag:s19], $0x3800  }
0x3a: {  	[sflag:s19] =	ssyncset.done $0x0  }
.Ltmp0:
0x3b: {  	s26 =	sadd.s32 $0x100, s25;
	[sflag:s19] =	ssyncadd.s32 $0xFFFFC800;
	(pc) =	sbr.rel @p0 .LBB2_2-.Ltmp0, $4  }
0x3c: {  	[tilespmem:s15], [sflag:$0x1] =	stream.indirect.gather [hbm4b:s4+s14], $0x70, s26, s14, $0xb8;
	[tilespmem:$0x1D800] =	vst v63  }
0x3d: {  	_ =	swait.ge [sflag:s20], $0x3800  }
0x3e: {  	[sflag:s20] =	ssyncset.done $0x0  }
0x3f: {  	s25 =	sadd.s32 $0x180, s25;
	[sflag:s20] =	ssyncadd.s32 $0xFFFFC800  }
0x40: {  	[tilespmem:s16], [sflag:$0x2] =	stream.indirect.gather [hbm4b:s4+s14], $0x70, s25, s14, $0xb8;
	[tilespmem:$0x1D800] =	vst v63  }
0x41: {  	_ =	swait.ge [sflag:s17], $0x3800  }
0x42: {  	[sflag:s17] =	ssyncset.done $0x0  }
0x43: {  	[sflag:s17] =	ssyncadd.s32 $0xFFFFC800  }
0x44: {  	[spmem:s2] =	stream.indirect.scatter.add.f32 [tilespmem:s15], [sflag:$0x3], $0x70, s21, s14, $0xb8;
	[tilespmem:$0x1D800] =	vst v63  }
0x45: {  	_ =	swait.ge [sflag:s18], $0x3800  }
0x46: {  	[sflag:s18] =	ssyncset.done $0x0  }
0x47: {  	[sflag:s18] =	ssyncadd.s32 $0xFFFFC800  }
0x48: {  	[spmem:s2] =	stream.indirect.scatter.add.f32 [tilespmem:s16], [sflag:$0x4], $0x70, s22, s14, $0xb8;
	[tilespmem:$0x1D800] =	vst v63  }
0x49: {  	_ =	swait.ge [sflag:s19], $0x3800  }
0x4a: {  	[sflag:s19] =	ssyncset.done $0x0  }
0x4b: {  	[sflag:s19] =	ssyncadd.s32 $0xFFFFC800  }
0x4c: {  	_ =	swait.ge [sflag:s20], $0x3800  }
0x4d: {  	s23 =	sadd.s32 $0x1, s23;
	[sflag:s20] =	ssyncset.done $0x0  }
0x4e: {  	p0 =	sne.s32 s23, s9;
	[sflag:s20] =	ssyncadd.s32 $0xFFFFC800  }
.Ltmp1:
0x4f: {  	[bflag:$0x0] =	sbarrier.arrive $0xFFFF;
	(pc) =	sbr.rel @p0 .LBB2_1-.Ltmp1, $4  }
0x50: {  	[hbm:s8], [sflag:s12] =	dma.local [spmem:s13], $0x2300  }
0x51: {  	_ =	swait.ge [sflag:s10], $0x2300  }
0x52: {  	[sflag:s10] =	ssyncset.done $0x0  }
0x53: {  	[sflag:s10] =	ssyncadd.s32 $0xFFFFDD00  }
0x54: {  	_ =	sfence.sel $0x180000  }
0x55: {  	[bflag:$0x0] =	sbarrier.arrive $0xFFFF  }
0x56: {  	p0 =	sne.s32 s0, $0x0;
	_ =	strace $0x9000004A  }
0x57: {  	s0 =	sadd.s32 @!p0 $0x100000, s1;
	[bflag:$0x2] =	sbarrier.arrive $0xFFFF  }
0x58: {  	[sflag:s0] =	ssyncadd.tile.s32 @!p0 $0x1;
	_ =	shalt  }
.Lfunc_end2:
_tile_overlayer_lowered:
.L_overlay_start_2:
0x59: {  	(tag) =	ssettag $0x2  }
0x5a: {  	s0 =	rddreg [dreg:$0x0];
	s2 =	stileid.u32  }
0x5b: {  	s1 =	rddreg [dreg:$0x1];
	p0 =	sne.s32 s2, $0x0  }
0x5c: {  	s3 =	rddreg [dreg:$0x2];
	[bflag:$0x3] =	sbarrier.arrive $0xFFFF;
	s2 =	simm.s32 @!p0 $0x1C05  }
0x5d: {  	[timem:s3], [sflag:s2] =	dma.local @!p0 [hbm:s0], s1  }
0x5e: {  	s0 =	simm.s32 @!p0 $0x5  }
0x5f: {  	_ =	swait.ge @!p0 [sflag:s0], s1  }
0x60: {  	s1 =	ssub.s32 @!p0 $0x0, s1;
	[sflag:s0] =	ssyncset.done @!p0 $0x0  }
0x61: {  	[sflag:s0] =	ssyncadd.s32 @!p0 s1  }
0x62: {  	[bflag:$0x3] =	sbarrier.arrive $0xFFFF  }
0x63: {  	_ =	shalt  }

// kernel: kernel.14.cloned.1.call-start
scs
__scs_entry_jumppad:
0x0: {  	(pc) =	sbr.rel $0x88, $3  }
0x1: {  	(tag) =	ssettag $0x0;
	lr =	simm.s32 $0x1  }
0x2: {  	[smem:$0x3F98] =	sst lr;
	_ =	strace $0xD0000000  }
0x3: {  	_ = 	snop  }
0x4: {  	_ = 	snop  }
0x5: {  	_ = 	snop  }
0x6: {  	_ = 	snop  }
0x7: {  	_ = 	snop  }
__scs_overlays_trampoline_lowered:
0x8: {  	[smem:$0x3FA7] =	sst s0  }
0x9: {  	[smem:$0x3FA8] =	sst s1  }
0xa: {  	[smem:$0x3FA9] =	sst s2  }
0xb: {  	[smem:$0x3FAA] =	sst s3  }
0xc: {  	[smem:$0x3FAB] =	sst s4  }
0xd: {  	[smem:$0x3FAC] =	sst s5  }
0xe: {  	[smem:$0x3FAD] =	sst s6  }
0xf: {  	[smem:$0x3FAE] =	sst s7  }
0x10: {  	[smem:$0x3FAF] =	sst s8  }
0x11: {  	[smem:$0x3FB0] =	sst s9;
	s0 =	simm.s32 @!p0 $0x0  }
0x12: {  	s1 =	sld [smem:$0x3F96];
	s0 =	simm.s32 @p0 $0x1  }
0x13: {  	[smem:$0x3FB1] =	sst s0;
	s0 =	simm.s32 @!p1 $0x0  }
0x14: {  	s2 =	sld [smem:$0x3F95];
	s0 =	simm.s32 @p1 $0x1  }
0x15: {  	[smem:$0x3FB2] =	sst s0;
	s0 =	simm.s32 @!p2 $0x0  }
0x16: {  	s3 =	sld [smem:$0x3FDB];
	s0 =	simm.s32 @p2 $0x1  }
0x17: {  	s4 =	simm.s32 $0x1BF5;
	[smem:$0x3FB4] =	sst s0  }
0x18: {  	s0 =	sld [smem:$0x3F97];
	_ =	swait.ge [sflag:s4], $0x0  }
0x19: {  	s7 =	sld [smem:$0x3F98]  }
0x1a: {  	s8 =	sadd.s32 $0xFFFFE003, lr  }
0x1b: {  	s9 =	sadd.s32 $0xFFFFFEF7, lr;
	s5 =	simm.s32 $0xFFFFFFFF;
	p2 =	slt.u32 s8, $0xFFFFF086  }
0x1c: {  	p1 =	slt.u32 s9, $0xF7A;
	s5 =	simm.s32 @!p2 $0x0  }
0x1d: {  	s5 =	simm.s32 @p1 $0x1;
	p0 =	seq.s32 s7, s2  }
0x1e: {  	s7 =	smul.u32 @!p0 $0xF7A, s2;
	p2 =	seq.s32 @!p0 s5, $0x0  }
0x1f: {  	s9 =	smul.u32 $0xF7A, s1;
	s8 =	simm.s32 @!p0 $0x1BF5;
	p2 =	por !p2, p0  }
0x20: {  	[sflag:s8] =	ssyncset.s32 @!p0 $0xFFFFF086;
	s6 =	sadd.s32 @!p0 s3, s7;
	s7 =	simm.s32 @!p0 $0x108  }
0x21: {  	s3 =	sadd.s32 s3, s9;
	s6 =	sadd.s32 @!p0 $0x88, s6;
	s7 =	simm.s32 @p2 $0x1082  }
0x22: {  	[simem:s7], [sflag:s8] =	dma.local @!p0 [hbm:s6], $0xF7A  }
0x23: {  	s9 =	sor.u32 $0xD0000000, s2;
	s6 =	simm.s32 $0x108;
	_ =	swait.ge @!p0 [sflag:s8], $0x0  }
0x24: {  	s3 =	sadd.s32 $0x88, s3;
	s6 =	simm.s32 @!p1 $0x1082;
	[sflag:s4] =	ssyncset.s32 $0xFFFFF086  }
0x25: {  	[simem:s6], [sflag:s4] =	dma.local [hbm:s3], $0xF7A  }
0x26: {  	[smem:$0x3F98] =	sst s1;
	(tag) =	ssettag s2;
	_ =	strace s9  }
0x27: {  	s1 =	sld [smem:$0x3FA8]  }
0x28: {  	s2 =	sld [smem:$0x3FA9]  }
0x29: {  	s4 =	sld [smem:$0x3FAB]  }
0x2a: {  	p0 =	seq.s32 s5, $0x0;
	s5 =	sld [smem:$0x3FAC]  }
0x2b: {  	s6 =	sld [smem:$0x3FAD]  }
0x2c: {  	s7 =	sld [smem:$0x3FAE]  }
0x2d: {  	s3 =	simm.s32 $0x108;
	s8 =	sld [smem:$0x3FAF]  }
0x2e: {  	s3 =	simm.s32 @!p0 $0x1082;
	s9 =	sld [smem:$0x3FB0]  }
0x2f: {  	lr =	sadd.s32 s0, s3;
	s0 =	sld [smem:$0x3FA7]  }
0x30: {  	s3 =	sld [smem:$0x3FAA]  }
0x31: {  	[smem:$0x3FB3] =	sst s10  }
0x32: {  	s10 =	sld [smem:$0x3FB1];
	_ =	sdelay $0x3  }
0x33: {  	p0 =	seq.s32 s10, $0x1;
	s10 =	sld [smem:$0x3FB3];
	_ =	sdelay $0x3  }
0x34: {  	[smem:$0x3FB3] =	sst s10  }
0x35: {  	s10 =	sld [smem:$0x3FB2];
	_ =	sdelay $0x3  }
0x36: {  	p1 =	seq.s32 s10, $0x1;
	s10 =	sld [smem:$0x3FB3];
	_ =	sdelay $0x3  }
0x37: {  	[smem:$0x3FB3] =	sst s10  }
0x38: {  	s10 =	sld [smem:$0x3FB4]  }
0x39: {  	_ = 	snop;
	(pc) =	sbr.ind lr, $3  }
0x3a: {  	_ = 	snop  }
0x3b: {  	_ = 	snop  }
0x3c: {  	p2 =	seq.s32 s10, $0x1;
	s10 =	sld [smem:$0x3FB3]  }
0x3d: {  	_ =	shalt  }
0x3e: {  	_ =	shalt  }
0x3f: {  	_ =	shalt  }
0x40: {  	_ =	shalt  }
0x41: {  	_ =	shalt  }
0x42: {  	_ =	shalt  }
0x43: {  	_ =	shalt  }
0x44: {  	_ =	shalt  }
0x45: {  	_ =	shalt  }
0x46: {  	_ =	shalt  }
0x47: {  	_ =	shalt  }
0x48: {  	_ =	shalt  }
0x49: {  	_ =	shalt  }
0x4a: {  	_ =	shalt  }
0x4b: {  	_ =	shalt  }
0x4c: {  	_ =	shalt  }
0x4d: {  	_ =	shalt  }
0x4e: {  	_ =	shalt  }
0x4f: {  	_ =	shalt  }
0x50: {  	_ =	shalt  }
0x51: {  	_ =	shalt  }
0x52: {  	_ =	shalt  }
0x53: {  	_ =	shalt  }
0x54: {  	_ =	shalt  }
0x55: {  	_ =	shalt  }
0x56: {  	_ =	shalt  }
0x57: {  	_ =	shalt  }
0x58: {  	_ =	shalt  }
0x59: {  	_ =	shalt  }
0x5a: {  	_ =	shalt  }
0x5b: {  	_ =	shalt  }
0x5c: {  	_ =	shalt  }
0x5d: {  	_ =	shalt  }
0x5e: {  	_ =	shalt  }
0x5f: {  	_ =	shalt  }
0x60: {  	_ =	shalt  }
0x61: {  	_ =	shalt  }
0x62: {  	_ =	shalt  }
0x63: {  	_ =	shalt  }
0x64: {  	_ =	shalt  }
0x65: {  	_ =	shalt  }
0x66: {  	_ =	shalt  }
0x67: {  	_ =	shalt  }
0x68: {  	_ =	shalt  }
0x69: {  	_ =	shalt  }
0x6a: {  	_ =	shalt  }
0x6b: {  	_ =	shalt  }
0x6c: {  	_ =	shalt  }
0x6d: {  	_ =	shalt  }
0x6e: {  	_ =	shalt  }
0x6f: {  	_ =	shalt  }
0x70: {  	_ =	shalt  }
0x71: {  	_ =	shalt  }
0x72: {  	_ =	shalt  }
0x73: {  	_ =	shalt  }
0x74: {  	_ =	shalt  }
0x75: {  	_ =	shalt  }
0x76: {  	_ =	shalt  }
0x77: {  	_ =	shalt  }
0x78: {  	_ =	shalt  }
0x79: {  	_ =	shalt  }
0x7a: {  	_ =	shalt  }
0x7b: {  	_ =	shalt  }
0x7c: {  	_ =	shalt  }
0x7d: {  	_ =	shalt  }
0x7e: {  	_ =	shalt  }
0x7f: {  	_ =	shalt  }
0x80: {  	_ =	shalt  }
0x81: {  	_ =	shalt  }
0x82: {  	_ =	shalt  }
0x83: {  	_ =	shalt  }
0x84: {  	_ =	shalt  }
0x85: {  	_ =	shalt  }
0x86: {  	_ =	shalt  }
0x87: {  	_ =	shalt  }
.Lfunc_end0:
.L_simem_size_0:
called_computation.2_lowered:
.L_overlay_start_0:
0x88: {  	s2 =	sld [smem:$0x3FD9]  }
0x89: {  	s3 =	sld [smem:$0x3FFE];
	_ =	sdelay $0x1  }
0x8a: {  	s1 =	srdreg.scid  }
0x8b: {  	s0 =	sand.u32 $0x1, s1  }
0x8c: {  	s16 =	sshll.u32 s0, $0xA;
	s2 =	sadd.s32 s3, s2  }
0x8d: {  	s2 =	sadd.s32 s2, s16  }
0x8e: {  	[smem:$0x3FBF] =	sst s2  }
0x8f: {  	_ = 	snop  }
0x90: {  	(tm) =	ssettm $0x1  }
0x91: {  	s17 =	sld [smem:$0x3FFB];
	_ =	sdelay $0x3  }
0x92: {  	_ =	strace s17  }
0x93: {  	s2 =	sld [smem:$0x3FFC];
	_ =	sdelay $0x3  }
0x94: {  	_ =	strace s2  }
0x95: {  	s2 =	sld [smem:$0x3FFD];
	_ =	sdelay $0x3  }
0x96: {  	_ =	strace s2  }
0x97: {  	_ =	strace $0x8FFFFFFF  }
0x98: {  	s18 =	sld [smem:$0x3FDB];
	_ =	sdelay $0x1  }
0x99: {  	s19 =	simm.s32 $_scs_section_size  }
0x9a: {  	s4 =	simm.s32 $_size__tile_overlayer_lowered;
	s5 =	simm.s32 $_tile_overlayer_lowered  }
0x9b: {  	s22 =	simm.s32 $0x1BFF;
	s21 =	sshll.u32 s5, $0x1;
	s2 =	sadd.s32 s19, s18  }
0x9c: {  	s6 =	simm.s32 $0x0;
	s20 =	sshll.u32 s4, $0x1;
	s4 =	sadd.s32 s21, s2  }
0x9d: {  	[timem:s6], [sflag:s22] =	dma.local [hbm:s4], s20  }
0x9e: {  	_ =	swait.ge [sflag:s22], s20  }
0x9f: {  	s3 =	ssub.s32 $0x0, s20;
	[sflag:s22] =	ssyncset.done $0x0  }
0xa0: {  	[sflag:s22] =	ssyncadd.s32 s3;
	_ =	sdelay $0x1  }
0xa1: {  	s23 =	simm.s32 $0x1B8B  }
0xa2: {  	_ =	swait.ge [sflag:s23], $0x1  }
0xa3: {  	[sflag:s23] =	ssyncset.done $0x0  }
0xa4: {  	s25 =	simm.s32 $0x1B8E;
	s24 =	sld [smem:$0x3FFE];
	[sflag:s23] =	ssyncadd.s32 $0xFFFFFFFF  }
0xa5: {  	s26 =	simm.s32 $execute0_lowered;
	[smem:$0x3FD2] =	sst s25  }
0xa6: {  	s4 =	sshll.u32 s26, $0x1;
	_ =	strace $0x8000004C;
	[dreg:$0x1] =	wrdreg $0xFFFFFFFF  }
0xa7: {  	s28 =	simm.s32 $_size_execute0_lowered;
	s2 =	sadd.s32 s2, s4;
	[dreg:$0x0] =	wrdreg $0x0  }
0xa8: {  	s4 =	sshll.u32 s28, $0x1;
	[dreg:$0x2] =	wrdreg s2  }
0xa9: {  	[dreg:$0x3] =	wrdreg s4  }
0xaa: {  	[dreg:$0x4] =	wrdreg $0xC0  }
0xab: {  	_ =	task [dreg:s6], $0x5FFFF  }
0xac: {  	[dreg:$0x1] =	wrdreg $0xFFFFFFFF  }
0xad: {  	[dreg:$0x0] =	wrdreg $0x60  }
0xae: {  	[dreg:$0x2] =	wrdreg s24  }
0xaf: {  	[dreg:$0x3] =	wrdreg $0xC0000  }
0xb0: {  	[dreg:$0x4] =	wrdreg $0x9  }
0xb1: {  	_ =	task.clear_ibuf [dreg:s6], $0x5FFFF;
	_ =	strace $0x9000004C  }
0xb2: {  	s29 =	simm.s32 $0x9;
	_ =	strace $0x8000004E  }
0xb3: {  	_ =	swait.ge [sflag:s29], $0x1  }
0xb4: {  	[sflag:s29] =	ssyncadd.s32 $0xFFFFFFFF  }
0xb5: {  	_ =	strace $0x9000004E  }
0xb6: {  	_ =	sfence  }
0xb7: {  	s30 =	sld [smem:$0x0];
	_ =	sdelay $0x2  }
0xb8: {  	s31 =	sshll.u32 s1, $0xD;
	s1 =	sshrl.u32 s1, $0x2  }
0xb9: {  	s3 =	sand.u32 $0x4000, s31;
	s1 =	sadd.s32 s1, s30  }
0xba: {  	s0 =	sor.u32 s3, s0;
	s1 =	sshll.u32 s1, $0x11  }
0xbb: {  	s0 =	sor.u32 s1, s0  }
0xbc: {  	s0 =	sadd.s32 $0x8F2B, s0  }
0xbd: {  	[sflag:s0] =	ssyncadd.remote.s32 $0x1  }
0xbe: {  	_ =	sfence.sel $0xFFFF  }
0xbf: {  	[dreg:$0x0] =	wrdreg $0xFFFFFFFF;
	(pc) =	sbr.abs _section_cstart, $3  }
0xc0: {  	[dreg:$0x1] =	wrdreg $0xFFFFFFFF  }
0xc1: {  	_ =	task.clear_ibuf [dreg:s6], $0x2FFFF;
	_ =	strace $0x9FFFFFFF  }
0xc2: {  	(tm) =	ssettm $0x7FFFFFFF  }
0xc3: {  	_ =	shalt  }
tec
execute0_lowered:
.L_overlay_start_1:
0x0: {  	(tag) =	ssettag $0x1  }
0x1: {  	s1 =	srdreg.scid;
	s6 =	rddreg [dreg:$0x0]  }
0x2: {  	s0 =	stileid.u32;
	s2 =	rddreg [dreg:$0x1]  }
0x3: {  	s3 =	simm.s32 $0x0;
	s14 =	simm.s32 $0x80;
	s15 =	simm.s32 $0x5000  }
0x4: {  	s16 =	simm.s32 $0x8800;
	s17 =	simm.s32 $0x1;
	s18 =	simm.s32 $0x2  }
0x5: {  	s19 =	simm.s32 $0x3;
	s20 =	simm.s32 $0x4;
	s21 =	simm.s32 $0x4F00  }
0x6: {  	s22 =	simm.s32 $0x4F80;
	s23 =	simm.s32 $0x0;
	s5 =	sand.u32 $0x1, s1  }
0x7: {  	s30 =	sshll.u32 s0, $0x1;
	s8 =	smul.u32 $0x11800, s0;
	[smem:$0x7FF] =	sst s3  }
0x8: {  	s12 =	sshll.u32 s0, $0x6;
	s1 =	sor.u32 s5, s30;
	s7 =	smul.u32 $0x118000, s5  }
0x9: {  	s10 =	ssub.s32 $0x2, s5;
	s5 =	sadd.s32 $0xCC00, s6;
	s12 =	sor.u32 $0x1C05, s12  }
0xa: {  	s4 =	smul.u32 $0x500, s1;
	s1 =	rddreg [dreg:$0x2];
	_ =	strace $0x8000004D  }
0xb: {  	s31 =	sshrl.u32 s10, $0x1;
	s13 =	sadd.s32 s8, s2;
	s7 =	sadd.s32 s8, s7  }
0xc: {  	s10 =	ssub.s32 s10, s31;
	s13 =	sshrl.u32 s13, $0x3;
	s7 =	sshrl.u32 s7, $0x3  }
0xd: {  	s9 =	sadd.s32 s4, s6;
	s4 =	sadd.s32 $0x48600, s6;
	s11 =	sadd.s32 s7, s6  }
0xe: {  	s6 =	sadd.s32 $0x17400, s9;
	s7 =	sadd.s32 $0x2C00, s9;
	s9 =	smax.u32 s10, $0x1  }
0xf: {  	s10 =	simm.s32 $0x5;
	s8 =	sadd.s32 $0x6B600, s11;
	s11 =	simm.s32 $0x2800  }
.LBB2_1:
0x10: {  	[tilespmem:s3], [sflag:$0x5] =	stream.linear.gather [hbm4b:s6+s3], $0x2800, $0x38;
	[tilespmem:$0x1D800] =	vst v63  }
0x11: {  	_ =	swait.ge [sflag:s10], $0x2800  }
0x12: {  	[sflag:s10] =	ssyncset.done $0x0  }
0x13: {  	[sflag:s10] =	ssyncadd.s32 $0xFFFFD800  }
0x14: {  	[tilespmem:s11], [sflag:$0x5] =	stream.linear.gather [hbm4b:s7+s3], $0x2800, $0x38;
	[tilespmem:$0x1D800] =	vst v63  }
0x15: {  	_ =	swait.ge [sflag:s10], $0x2800  }
0x16: {  	[sflag:s10] =	ssyncset.done $0x0  }
0x17: {  	[sflag:s10] =	ssyncadd.s32 $0xFFFFD800  }
0x18: {  	[spmem:s13], [sflag:s12] =	dma.local [hbm:s5], $0x2300  }
0x19: {  	_ =	swait.ge [sflag:s10], $0x2300  }
0x1a: {  	[sflag:s10] =	ssyncset.done $0x0  }
0x1b: {  	[sflag:s10] =	ssyncadd.s32 $0xFFFFDD00  }
0x1c: {  	[bflag:$0x0] =	sbarrier.arrive $0xFFFF  }
0x1d: {  	[tilespmem:s15], [sflag:$0x1] =	stream.indirect.gather [hbm4b:s4+s14], $0x70, s3, s14, $0xb8;
	[tilespmem:$0x1D800] =	vst v63  }
0x1e: {  	_ = 	snop  }
0x1f: {  	[tilespmem:s16], [sflag:$0x2] =	stream.indirect.gather [hbm4b:s4+s14], $0x70, s14, s14, $0xb8;
	[tilespmem:$0x1D800] =	vst v63  }
0x20: {  	_ =	swait.ge [sflag:s17], $0x3800  }
0x21: {  	[sflag:s17] =	ssyncset.done $0x0  }
0x22: {  	s24 =	simm.s32 $0x2800;
	[sflag:s17] =	ssyncadd.s32 $0xFFFFC800  }
0x23: {  	[spmem:s2] =	stream.indirect.scatter.add.f32 [tilespmem:s15], [sflag:$0x3], $0x70, s24, s14, $0xb8;
	[tilespmem:$0x1D800] =	vst v63  }
0x24: {  	_ =	swait.ge [sflag:s18], $0x3800  }
0x25: {  	[sflag:s18] =	ssyncset.done $0x0  }
0x26: {  	s30 =	simm.s32 $0x2880;
	[sflag:s18] =	ssyncadd.s32 $0xFFFFC800  }
0x27: {  	[spmem:s2] =	stream.indirect.scatter.add.f32 [tilespmem:s16], [sflag:$0x4], $0x70, s30, s14, $0xb8;
	[tilespmem:$0x1D800] =	vst v63  }
0x28: {  	_ =	swait.ge [sflag:s19], $0x3800  }
0x29: {  	[sflag:s19] =	ssyncset.done $0x0  }
0x2a: {  	s31 =	simm.s32 $0x100;
	[sflag:s19] =	ssyncadd.s32 $0xFFFFC800  }
0x2b: {  	[tilespmem:s15], [sflag:$0x1] =	stream.indirect.gather [hbm4b:s4+s14], $0x70, s31, s14, $0xb8;
	[tilespmem:$0x1D800] =	vst v63  }
0x2c: {  	_ =	swait.ge [sflag:s20], $0x3800  }
0x2d: {  	[sflag:s20] =	ssyncset.done $0x0  }
0x2e: {  	s25 =	simm.s32 $0x180;
	s24 =	simm.s32 $0x400;
	[sflag:s20] =	ssyncadd.s32 $0xFFFFC800  }
.LBB2_2:
0x2f: {  	[tilespmem:s16], [sflag:$0x2] =	stream.indirect.gather [hbm4b:s4+s14], $0x70, s25, s14, $0xb8;
	[tilespmem:$0x1D800] =	vst v63  }
0x30: {  	s25 =	smov.u32 s24  }
0x31: {  	p0 =	sne.s32 s24, $0x9800;
	s24 =	sadd.s32 $0x400, s24;
	_ =	swait.ge [sflag:s17], $0x3800  }
0x32: {  	s25 =	sshra.s32 s25, $0x2;
	[sflag:s17] =	ssyncset.done $0x0  }
0x33: {  	s26 =	sadd.s32 $0x2800, s25;
	[sflag:s17] =	ssyncadd.s32 $0xFFFFC800  }
0x34: {  	[spmem:s2] =	stream.indirect.scatter.add.f32 [tilespmem:s15], [sflag:$0x3], $0x70, s26, s14, $0xb8;
	[tilespmem:$0x1D800] =	vst v63  }
0x35: {  	_ =	swait.ge [sflag:s18], $0x3800  }
0x36: {  	[sflag:s18] =	ssyncset.done $0x0  }
0x37: {  	s26 =	sadd.s32 $0x2880, s25;
	[sflag:s18] =	ssyncadd.s32 $0xFFFFC800  }
0x38: {  	[spmem:s2] =	stream.indirect.scatter.add.f32 [tilespmem:s16], [sflag:$0x4], $0x70, s26, s14, $0xb8;
	[tilespmem:$0x1D800] =	vst v63  }
0x39: {  	_ =	swait.ge [sflag:s19], $0x3800  }
0x3a: {  	[sflag:s19] =	ssyncset.done $0x0  }
.Ltmp0:
0x3b: {  	s26 =	sadd.s32 $0x100, s25;
	[sflag:s19] =	ssyncadd.s32 $0xFFFFC800;
	(pc) =	sbr.rel @p0 .LBB2_2-.Ltmp0, $4  }
0x3c: {  	[tilespmem:s15], [sflag:$0x1] =	stream.indirect.gather [hbm4b:s4+s14], $0x70, s26, s14, $0xb8;
	[tilespmem:$0x1D800] =	vst v63  }
0x3d: {  	_ =	swait.ge [sflag:s20], $0x3800  }
0x3e: {  	[sflag:s20] =	ssyncset.done $0x0  }
0x3f: {  	s25 =	sadd.s32 $0x180, s25;
	[sflag:s20] =	ssyncadd.s32 $0xFFFFC800  }
0x40: {  	[tilespmem:s16], [sflag:$0x2] =	stream.indirect.gather [hbm4b:s4+s14], $0x70, s25, s14, $0xb8;
	[tilespmem:$0x1D800] =	vst v63  }
0x41: {  	_ =	swait.ge [sflag:s17], $0x3800  }
0x42: {  	[sflag:s17] =	ssyncset.done $0x0  }
0x43: {  	[sflag:s17] =	ssyncadd.s32 $0xFFFFC800  }
0x44: {  	[spmem:s2] =	stream.indirect.scatter.add.f32 [tilespmem:s15], [sflag:$0x3], $0x70, s21, s14, $0xb8;
	[tilespmem:$0x1D800] =	vst v63  }
0x45: {  	_ =	swait.ge [sflag:s18], $0x3800  }
0x46: {  	[sflag:s18] =	ssyncset.done $0x0  }
0x47: {  	[sflag:s18] =	ssyncadd.s32 $0xFFFFC800  }
0x48: {  	[spmem:s2] =	stream.indirect.scatter.add.f32 [tilespmem:s16], [sflag:$0x4], $0x70, s22, s14, $0xb8;
	[tilespmem:$0x1D800] =	vst v63  }
0x49: {  	_ =	swait.ge [sflag:s19], $0x3800  }
0x4a: {  	[sflag:s19] =	ssyncset.done $0x0  }
0x4b: {  	[sflag:s19] =	ssyncadd.s32 $0xFFFFC800  }
0x4c: {  	_ =	swait.ge [sflag:s20], $0x3800  }
0x4d: {  	s23 =	sadd.s32 $0x1, s23;
	[sflag:s20] =	ssyncset.done $0x0  }
0x4e: {  	p0 =	sne.s32 s23, s9;
	[sflag:s20] =	ssyncadd.s32 $0xFFFFC800  }
.Ltmp1:
0x4f: {  	[bflag:$0x0] =	sbarrier.arrive $0xFFFF;
	(pc) =	sbr.rel @p0 .LBB2_1-.Ltmp1, $4  }
0x50: {  	[hbm:s8], [sflag:s12] =	dma.local [spmem:s13], $0x2300  }
0x51: {  	_ =	swait.ge [sflag:s10], $0x2300  }
0x52: {  	[sflag:s10] =	ssyncset.done $0x0  }
0x53: {  	[sflag:s10] =	ssyncadd.s32 $0xFFFFDD00  }
0x54: {  	_ =	sfence.sel $0x180000  }
0x55: {  	[bflag:$0x0] =	sbarrier.arrive $0xFFFF  }
0x56: {  	p0 =	sne.s32 s0, $0x0;
	_ =	strace $0x9000004D  }
0x57: {  	s0 =	sadd.s32 @!p0 $0x100000, s1;
	[bflag:$0x2] =	sbarrier.arrive $0xFFFF  }
0x58: {  	[sflag:s0] =	ssyncadd.tile.s32 @!p0 $0x1;
	_ =	shalt  }
.Lfunc_end2:
_tile_overlayer_lowered:
.L_overlay_start_2:
0x59: {  	(tag) =	ssettag $0x2  }
0x5a: {  	s0 =	rddreg [dreg:$0x0];
	s2 =	stileid.u32  }
0x5b: {  	s1 =	rddreg [dreg:$0x1];
	p0 =	sne.s32 s2, $0x0  }
0x5c: {  	s3 =	rddreg [dreg:$0x2];
	[bflag:$0x3] =	sbarrier.arrive $0xFFFF;
	s2 =	simm.s32 @!p0 $0x1C05  }
0x5d: {  	[timem:s3], [sflag:s2] =	dma.local @!p0 [hbm:s0], s1  }
0x5e: {  	s0 =	simm.s32 @!p0 $0x5  }
0x5f: {  	_ =	swait.ge @!p0 [sflag:s0], s1  }
0x60: {  	s1 =	ssub.s32 @!p0 $0x0, s1;
	[sflag:s0] =	ssyncset.done @!p0 $0x0  }
0x61: {  	[sflag:s0] =	ssyncadd.s32 @!p0 s1  }
0x62: {  	[bflag:$0x3] =	sbarrier.arrive $0xFFFF  }
0x63: {  	_ =	shalt  }

// kernel: kernel.8.cloned.1.call-start
scs
__scs_entry_jumppad:
0x0: {  	(pc) =	sbr.rel $0x88, $3  }
0x1: {  	(tag) =	ssettag $0x0;
	lr =	simm.s32 $0x1  }
0x2: {  	[smem:$0x3F98] =	sst lr;
	_ =	strace $0xD0000000  }
0x3: {  	_ = 	snop  }
0x4: {  	_ = 	snop  }
0x5: {  	_ = 	snop  }
0x6: {  	_ = 	snop  }
0x7: {  	_ = 	snop  }
__scs_overlays_trampoline_lowered:
0x8: {  	[smem:$0x3FA7] =	sst s0  }
0x9: {  	[smem:$0x3FA8] =	sst s1  }
0xa: {  	[smem:$0x3FA9] =	sst s2  }
0xb: {  	[smem:$0x3FAA] =	sst s3  }
0xc: {  	[smem:$0x3FAB] =	sst s4  }
0xd: {  	[smem:$0x3FAC] =	sst s5  }
0xe: {  	[smem:$0x3FAD] =	sst s6  }
0xf: {  	[smem:$0x3FAE] =	sst s7  }
0x10: {  	[smem:$0x3FAF] =	sst s8  }
0x11: {  	[smem:$0x3FB0] =	sst s9;
	s0 =	simm.s32 @!p0 $0x0  }
0x12: {  	s1 =	sld [smem:$0x3F96];
	s0 =	simm.s32 @p0 $0x1  }
0x13: {  	[smem:$0x3FB1] =	sst s0;
	s0 =	simm.s32 @!p1 $0x0  }
0x14: {  	s2 =	sld [smem:$0x3F95];
	s0 =	simm.s32 @p1 $0x1  }
0x15: {  	[smem:$0x3FB2] =	sst s0;
	s0 =	simm.s32 @!p2 $0x0  }
0x16: {  	s3 =	sld [smem:$0x3FDB];
	s0 =	simm.s32 @p2 $0x1  }
0x17: {  	s4 =	simm.s32 $0x1BF5;
	[smem:$0x3FB4] =	sst s0  }
0x18: {  	s0 =	sld [smem:$0x3F97];
	_ =	swait.ge [sflag:s4], $0x0  }
0x19: {  	s7 =	sld [smem:$0x3F98]  }
0x1a: {  	s8 =	sadd.s32 $0xFFFFE003, lr  }
0x1b: {  	s9 =	sadd.s32 $0xFFFFFEF7, lr;
	s5 =	simm.s32 $0xFFFFFFFF;
	p2 =	slt.u32 s8, $0xFFFFF086  }
0x1c: {  	p1 =	slt.u32 s9, $0xF7A;
	s5 =	simm.s32 @!p2 $0x0  }
0x1d: {  	s5 =	simm.s32 @p1 $0x1;
	p0 =	seq.s32 s7, s2  }
0x1e: {  	s7 =	smul.u32 @!p0 $0xF7A, s2;
	p2 =	seq.s32 @!p0 s5, $0x0  }
0x1f: {  	s9 =	smul.u32 $0xF7A, s1;
	s8 =	simm.s32 @!p0 $0x1BF5;
	p2 =	por !p2, p0  }
0x20: {  	[sflag:s8] =	ssyncset.s32 @!p0 $0xFFFFF086;
	s6 =	sadd.s32 @!p0 s3, s7;
	s7 =	simm.s32 @!p0 $0x108  }
0x21: {  	s3 =	sadd.s32 s3, s9;
	s6 =	sadd.s32 @!p0 $0x88, s6;
	s7 =	simm.s32 @p2 $0x1082  }
0x22: {  	[simem:s7], [sflag:s8] =	dma.local @!p0 [hbm:s6], $0xF7A  }
0x23: {  	s9 =	sor.u32 $0xD0000000, s2;
	s6 =	simm.s32 $0x108;
	_ =	swait.ge @!p0 [sflag:s8], $0x0  }
0x24: {  	s3 =	sadd.s32 $0x88, s3;
	s6 =	simm.s32 @!p1 $0x1082;
	[sflag:s4] =	ssyncset.s32 $0xFFFFF086  }
0x25: {  	[simem:s6], [sflag:s4] =	dma.local [hbm:s3], $0xF7A  }
0x26: {  	[smem:$0x3F98] =	sst s1;
	(tag) =	ssettag s2;
	_ =	strace s9  }
0x27: {  	s1 =	sld [smem:$0x3FA8]  }
0x28: {  	s2 =	sld [smem:$0x3FA9]  }
0x29: {  	s4 =	sld [smem:$0x3FAB]  }
0x2a: {  	p0 =	seq.s32 s5, $0x0;
	s5 =	sld [smem:$0x3FAC]  }
0x2b: {  	s6 =	sld [smem:$0x3FAD]  }
0x2c: {  	s7 =	sld [smem:$0x3FAE]  }
0x2d: {  	s3 =	simm.s32 $0x108;
	s8 =	sld [smem:$0x3FAF]  }
0x2e: {  	s3 =	simm.s32 @!p0 $0x1082;
	s9 =	sld [smem:$0x3FB0]  }
0x2f: {  	lr =	sadd.s32 s0, s3;
	s0 =	sld [smem:$0x3FA7]  }
0x30: {  	s3 =	sld [smem:$0x3FAA]  }
0x31: {  	[smem:$0x3FB3] =	sst s10  }
0x32: {  	s10 =	sld [smem:$0x3FB1];
	_ =	sdelay $0x3  }
0x33: {  	p0 =	seq.s32 s10, $0x1;
	s10 =	sld [smem:$0x3FB3];
	_ =	sdelay $0x3  }
0x34: {  	[smem:$0x3FB3] =	sst s10  }
0x35: {  	s10 =	sld [smem:$0x3FB2];
	_ =	sdelay $0x3  }
0x36: {  	p1 =	seq.s32 s10, $0x1;
	s10 =	sld [smem:$0x3FB3];
	_ =	sdelay $0x3  }
0x37: {  	[smem:$0x3FB3] =	sst s10  }
0x38: {  	s10 =	sld [smem:$0x3FB4]  }
0x39: {  	_ = 	snop;
	(pc) =	sbr.ind lr, $3  }
0x3a: {  	_ = 	snop  }
0x3b: {  	_ = 	snop  }
0x3c: {  	p2 =	seq.s32 s10, $0x1;
	s10 =	sld [smem:$0x3FB3]  }
0x3d: {  	_ =	shalt  }
0x3e: {  	_ =	shalt  }
0x3f: {  	_ =	shalt  }
0x40: {  	_ =	shalt  }
0x41: {  	_ =	shalt  }
0x42: {  	_ =	shalt  }
0x43: {  	_ =	shalt  }
0x44: {  	_ =	shalt  }
0x45: {  	_ =	shalt  }
0x46: {  	_ =	shalt  }
0x47: {  	_ =	shalt  }
0x48: {  	_ =	shalt  }
0x49: {  	_ =	shalt  }
0x4a: {  	_ =	shalt  }
0x4b: {  	_ =	shalt  }
0x4c: {  	_ =	shalt  }
0x4d: {  	_ =	shalt  }
0x4e: {  	_ =	shalt  }
0x4f: {  	_ =	shalt  }
0x50: {  	_ =	shalt  }
0x51: {  	_ =	shalt  }
0x52: {  	_ =	shalt  }
0x53: {  	_ =	shalt  }
0x54: {  	_ =	shalt  }
0x55: {  	_ =	shalt  }
0x56: {  	_ =	shalt  }
0x57: {  	_ =	shalt  }
0x58: {  	_ =	shalt  }
0x59: {  	_ =	shalt  }
0x5a: {  	_ =	shalt  }
0x5b: {  	_ =	shalt  }
0x5c: {  	_ =	shalt  }
0x5d: {  	_ =	shalt  }
0x5e: {  	_ =	shalt  }
0x5f: {  	_ =	shalt  }
0x60: {  	_ =	shalt  }
0x61: {  	_ =	shalt  }
0x62: {  	_ =	shalt  }
0x63: {  	_ =	shalt  }
0x64: {  	_ =	shalt  }
0x65: {  	_ =	shalt  }
0x66: {  	_ =	shalt  }
0x67: {  	_ =	shalt  }
0x68: {  	_ =	shalt  }
0x69: {  	_ =	shalt  }
0x6a: {  	_ =	shalt  }
0x6b: {  	_ =	shalt  }
0x6c: {  	_ =	shalt  }
0x6d: {  	_ =	shalt  }
0x6e: {  	_ =	shalt  }
0x6f: {  	_ =	shalt  }
0x70: {  	_ =	shalt  }
0x71: {  	_ =	shalt  }
0x72: {  	_ =	shalt  }
0x73: {  	_ =	shalt  }
0x74: {  	_ =	shalt  }
0x75: {  	_ =	shalt  }
0x76: {  	_ =	shalt  }
0x77: {  	_ =	shalt  }
0x78: {  	_ =	shalt  }
0x79: {  	_ =	shalt  }
0x7a: {  	_ =	shalt  }
0x7b: {  	_ =	shalt  }
0x7c: {  	_ =	shalt  }
0x7d: {  	_ =	shalt  }
0x7e: {  	_ =	shalt  }
0x7f: {  	_ =	shalt  }
0x80: {  	_ =	shalt  }
0x81: {  	_ =	shalt  }
0x82: {  	_ =	shalt  }
0x83: {  	_ =	shalt  }
0x84: {  	_ =	shalt  }
0x85: {  	_ =	shalt  }
0x86: {  	_ =	shalt  }
0x87: {  	_ =	shalt  }
.Lfunc_end0:
.L_simem_size_0:
called_computation_lowered:
.L_overlay_start_0:
0x88: {  	s2 =	sld [smem:$0x3FD9]  }
0x89: {  	s3 =	sld [smem:$0x3FFE];
	_ =	sdelay $0x1  }
0x8a: {  	s1 =	srdreg.scid  }
0x8b: {  	s0 =	sand.u32 $0x1, s1  }
0x8c: {  	s16 =	sshll.u32 s0, $0xA;
	s2 =	sadd.s32 s3, s2  }
0x8d: {  	s2 =	sadd.s32 s2, s16  }
0x8e: {  	[smem:$0x3FBF] =	sst s2  }
0x8f: {  	_ = 	snop  }
0x90: {  	(tm) =	ssettm $0x1  }
0x91: {  	s17 =	sld [smem:$0x3FFB];
	_ =	sdelay $0x3  }
0x92: {  	_ =	strace s17  }
0x93: {  	s2 =	sld [smem:$0x3FFC];
	_ =	sdelay $0x3  }
0x94: {  	_ =	strace s2  }
0x95: {  	s2 =	sld [smem:$0x3FFD];
	_ =	sdelay $0x3  }
0x96: {  	_ =	strace s2  }
0x97: {  	_ =	strace $0x8FFFFFFF  }
0x98: {  	s18 =	sld [smem:$0x3FDB];
	_ =	sdelay $0x1  }
0x99: {  	s19 =	simm.s32 $_scs_section_size  }
0x9a: {  	s4 =	simm.s32 $_size__tile_overlayer_lowered;
	s5 =	simm.s32 $_tile_overlayer_lowered  }
0x9b: {  	s22 =	simm.s32 $0x1BFF;
	s21 =	sshll.u32 s5, $0x1;
	s2 =	sadd.s32 s19, s18  }
0x9c: {  	s6 =	simm.s32 $0x0;
	s20 =	sshll.u32 s4, $0x1;
	s4 =	sadd.s32 s21, s2  }
0x9d: {  	[timem:s6], [sflag:s22] =	dma.local [hbm:s4], s20  }
0x9e: {  	_ =	swait.ge [sflag:s22], s20  }
0x9f: {  	s3 =	ssub.s32 $0x0, s20;
	[sflag:s22] =	ssyncset.done $0x0  }
0xa0: {  	[sflag:s22] =	ssyncadd.s32 s3;
	_ =	sdelay $0x1  }
0xa1: {  	s23 =	simm.s32 $0x1B8B  }
0xa2: {  	_ =	swait.ge [sflag:s23], $0x1  }
0xa3: {  	[sflag:s23] =	ssyncset.done $0x0  }
0xa4: {  	s25 =	simm.s32 $0x1B8E;
	s24 =	sld [smem:$0x3FFE];
	[sflag:s23] =	ssyncadd.s32 $0xFFFFFFFF  }
0xa5: {  	s26 =	simm.s32 $execute0_lowered;
	[smem:$0x3FD2] =	sst s25  }
0xa6: {  	s4 =	sshll.u32 s26, $0x1;
	_ =	strace $0x80000046;
	[dreg:$0x1] =	wrdreg $0xFFFFFFFF  }
0xa7: {  	s28 =	simm.s32 $_size_execute0_lowered;
	s2 =	sadd.s32 s2, s4;
	[dreg:$0x0] =	wrdreg $0x0  }
0xa8: {  	s4 =	sshll.u32 s28, $0x1;
	[dreg:$0x2] =	wrdreg s2  }
0xa9: {  	[dreg:$0x3] =	wrdreg s4  }
0xaa: {  	[dreg:$0x4] =	wrdreg $0xC0  }
0xab: {  	_ =	task [dreg:s6], $0x5FFFF  }
0xac: {  	[dreg:$0x1] =	wrdreg $0xFFFFFFFF  }
0xad: {  	[dreg:$0x0] =	wrdreg $0x60  }
0xae: {  	[dreg:$0x2] =	wrdreg s24  }
0xaf: {  	[dreg:$0x3] =	wrdreg $0x30000  }
0xb0: {  	[dreg:$0x4] =	wrdreg $0x9  }
0xb1: {  	_ =	task.clear_ibuf [dreg:s6], $0x5FFFF;
	_ =	strace $0x90000046  }
0xb2: {  	s29 =	simm.s32 $0x9;
	_ =	strace $0x80000048  }
0xb3: {  	_ =	swait.ge [sflag:s29], $0x1  }
0xb4: {  	[sflag:s29] =	ssyncadd.s32 $0xFFFFFFFF  }
0xb5: {  	_ =	strace $0x90000048  }
0xb6: {  	_ =	sfence  }
0xb7: {  	s30 =	sld [smem:$0x0];
	_ =	sdelay $0x2  }
0xb8: {  	s31 =	sshll.u32 s1, $0xD;
	s1 =	sshrl.u32 s1, $0x2  }
0xb9: {  	s3 =	sand.u32 $0x4000, s31;
	s1 =	sadd.s32 s1, s30  }
0xba: {  	s0 =	sor.u32 s3, s0;
	s1 =	sshll.u32 s1, $0x11  }
0xbb: {  	s0 =	sor.u32 s1, s0  }
0xbc: {  	s0 =	sadd.s32 $0x8F2B, s0  }
0xbd: {  	[sflag:s0] =	ssyncadd.remote.s32 $0x1  }
0xbe: {  	_ =	sfence.sel $0xFFFF  }
0xbf: {  	[dreg:$0x0] =	wrdreg $0xFFFFFFFF;
	(pc) =	sbr.abs _section_cstart, $3  }
0xc0: {  	[dreg:$0x1] =	wrdreg $0xFFFFFFFF  }
0xc1: {  	_ =	task.clear_ibuf [dreg:s6], $0x2FFFF;
	_ =	strace $0x9FFFFFFF  }
0xc2: {  	(tm) =	ssettm $0x7FFFFFFF  }
0xc3: {  	_ =	shalt  }
tec
execute0_lowered:
.L_overlay_start_1:
0x0: {  	(tag) =	ssettag $0x1  }
0x1: {  	s1 =	srdreg.scid;
	s6 =	rddreg [dreg:$0x0]  }
0x2: {  	s0 =	stileid.u32;
	s2 =	rddreg [dreg:$0x1]  }
0x3: {  	s3 =	simm.s32 $0x0;
	s13 =	simm.s32 $0x80;
	s14 =	simm.s32 $0x0  }
0x4: {  	s5 =	sand.u32 $0x1, s1;
	s30 =	sshll.u32 s0, $0x1;
	s7 =	smul.u32 $0x2800, s0  }
0x5: {  	[smem:$0x7FF] =	sst s3;
	s11 =	sshll.u32 s0, $0x6;
	s1 =	sor.u32 s5, s30  }
0x6: {  	s8 =	smul.u32 $0x28000, s5;
	s10 =	ssub.s32 $0x2, s5;
	s5 =	sadd.s32 $0xCC00, s6  }
0x7: {  	s11 =	sor.u32 $0x1C01, s11;
	s4 =	smul.u32 $0x500, s1;
	s1 =	rddreg [dreg:$0x2]  }
0x8: {  	_ =	strace $0x80000047;
	s31 =	sshrl.u32 s10, $0x1;
	s12 =	sadd.s32 s7, s2  }
0x9: {  	s8 =	sadd.s32 s7, s8;
	s10 =	ssub.s32 s10, s31;
	s12 =	sshrl.u32 s12, $0x3  }
0xa: {  	s9 =	sadd.s32 s4, s6;
	s4 =	sadd.s32 $0xD200, s6;
	s8 =	sshrl.u32 s8, $0x3  }
0xb: {  	s8 =	sadd.s32 s8, s6;
	s6 =	sadd.s32 $0x2C00, s9;
	s9 =	simm.s32 $0x1  }
0xc: {  	s7 =	sadd.s32 $0xD400, s8;
	s8 =	smax.u32 s10, $0x1;
	s10 =	simm.s32 $0x2800  }
.LBB2_1:
0xd: {  	[tilespmem:s3], [sflag:$0x1] =	stream.linear.gather [hbm4b:s6+s3], $0x2800, $0x38;
	[tilespmem:$0x5800] =	vst v63  }
0xe: {  	_ =	swait.ge [sflag:s9], $0x2800  }
0xf: {  	[sflag:s9] =	ssyncset.done $0x0  }
0x10: {  	[sflag:s9] =	ssyncadd.s32 $0xFFFFD800  }
0x11: {  	[tilespmem:s10], [sflag:$0x1] =	stream.linear.gather [hbm4b:s4+s3], $0x800, $0x38;
	[tilespmem:$0x5800] =	vst v63  }
0x12: {  	_ =	swait.ge [sflag:s9], $0x800  }
0x13: {  	[sflag:s9] =	ssyncset.done $0x0  }
0x14: {  	[sflag:s9] =	ssyncadd.s32 $0xFFFFF800  }
0x15: {  	[spmem:s12], [sflag:s11] =	dma.local [hbm:s5], $0x500  }
0x16: {  	_ =	swait.ge [sflag:s9], $0x500  }
0x17: {  	[sflag:s9] =	ssyncset.done $0x0  }
0x18: {  	[sflag:s9] =	ssyncadd.s32 $0xFFFFFB00  }
0x19: {  	s15 =	simm.s32 $0x0;
	[bflag:$0x0] =	sbarrier.arrive $0xFFFF  }
0x1a: {  	[spmem:s2] =	stream.indirect.scatter.add.f32 [tilespmem:s10], [sflag:$0x1], $0x10, s15, s13, $0xb8;
	[tilespmem:$0x5800] =	vst v63  }
0x1b: {  	_ =	swait.ge [sflag:s9], $0x800  }
0x1c: {  	s15 =	simm.s32 $0x200;
	[sflag:s9] =	ssyncset.done $0x0  }
.LBB2_2:
0x1d: {  	s16 =	sshra.s32 s15, $0x2;
	[sflag:s9] =	ssyncadd.s32 $0xFFFFF800;
	p0 =	sne.s32 s15, $0x9E00  }
0x1e: {  	[spmem:s2] =	stream.indirect.scatter.add.f32 [tilespmem:s10], [sflag:$0x1], $0x10, s16, s13, $0xb8;
	[tilespmem:$0x5800] =	vst v63  }
.Ltmp0:
0x1f: {  	_ = 	snop;
	(pc) =	sbr.rel @p0 .LBB2_2-.Ltmp0, $4  }
0x20: {  	_ = 	snop  }
0x21: {  	s15 =	sadd.s32 $0x200, s15  }
0x22: {  	_ =	swait.ge [sflag:s9], $0x800  }
0x23: {  	[sflag:s9] =	ssyncset.done $0x0  }
0x24: {  	s14 =	sadd.s32 $0x1, s14  }
0x25: {  	[sflag:s9] =	ssyncadd.s32 $0xFFFFF800;
	p0 =	sne.s32 s14, s8  }
.Ltmp1:
0x26: {  	[bflag:$0x0] =	sbarrier.arrive $0xFFFF;
	(pc) =	sbr.rel @p0 .LBB2_1-.Ltmp1, $4  }
0x27: {  	[hbm:s7], [sflag:s11] =	dma.local [spmem:s12], $0x500  }
0x28: {  	_ =	swait.ge [sflag:s9], $0x500  }
0x29: {  	[sflag:s9] =	ssyncset.done $0x0  }
0x2a: {  	[sflag:s9] =	ssyncadd.s32 $0xFFFFFB00  }
0x2b: {  	_ =	sfence.sel $0x180000  }
0x2c: {  	[bflag:$0x0] =	sbarrier.arrive $0xFFFF  }
0x2d: {  	p0 =	sne.s32 s0, $0x0;
	_ =	strace $0x90000047  }
0x2e: {  	s0 =	sadd.s32 @!p0 $0x100000, s1;
	[bflag:$0x2] =	sbarrier.arrive $0xFFFF  }
0x2f: {  	[sflag:s0] =	ssyncadd.tile.s32 @!p0 $0x1;
	_ =	shalt  }
.Lfunc_end2:
_tile_overlayer_lowered:
.L_overlay_start_2:
0x30: {  	(tag) =	ssettag $0x2  }
0x31: {  	s0 =	rddreg [dreg:$0x0];
	s2 =	stileid.u32  }
0x32: {  	s1 =	rddreg [dreg:$0x1];
	p0 =	sne.s32 s2, $0x0  }
0x33: {  	s3 =	rddreg [dreg:$0x2];
	[bflag:$0x3] =	sbarrier.arrive $0xFFFF;
	s2 =	simm.s32 @!p0 $0x1C01  }
0x34: {  	[timem:s3], [sflag:s2] =	dma.local @!p0 [hbm:s0], s1  }
0x35: {  	s0 =	simm.s32 @!p0 $0x1  }
0x36: {  	_ =	swait.ge @!p0 [sflag:s0], s1  }
0x37: {  	s1 =	ssub.s32 @!p0 $0x0, s1;
	[sflag:s0] =	ssyncset.done @!p0 $0x0  }
0x38: {  	[sflag:s0] =	ssyncadd.s32 @!p0 s1  }
0x39: {  	[bflag:$0x3] =	sbarrier.arrive $0xFFFF  }
0x3a: {  	_ =	shalt  }

</sc_bundles>
